<compile_context>
chip_gen: v7x
topology: tpu7x:2x2x1
jax: 0.10.2.dev20260603
libtpu: 0.0.44.dev20260713+nightly
codegen_flags: <defaults>
</compile_context>

<pallas_src>
import functools

import jax
import jax.numpy as jnp
from jax import lax
from jax.experimental import pallas as pl
from jax.experimental.pallas import tpu as pltpu
from jax.experimental.pallas import tpu_sc as plsc

N = 10000
E = 320000
D = 128

NC = 2
NS = 16
NW = NC * NS
EPW = E // NW
CH = 128
PAD = 240
EPW2 = EPW + PAD
NCHUNK = EPW2 // CH
SUB = 8
NSUP = NCHUNK // SUB
NP = 10112
RPT = NP // NS


def _agg_kernel(feat_hbm, src_hbm, dst_hbm, out_hbm,
                src_v, dst_v, rows_a, rows_b, acc_sh, sem_ga, sem_gb, sem_i):
    c = lax.axis_index("c")
    s = lax.axis_index("s")
    w = s * NC + c
    r0 = s * RPT
    pltpu.sync_copy(src_hbm.at[w, pl.ds(0, SUB)], src_v.at[pl.ds(0, SUB)])
    pltpu.sync_copy(dst_hbm.at[w, pl.ds(0, SUB)], dst_v.at[pl.ds(0, SUB)])
    pltpu.async_copy(feat_hbm.at[src_v.at[0]], rows_a, sem_ga)
    z = jnp.zeros((16,), jnp.float32)

    def zrow(r, carry):
        for ki in range(8):
            rows_b[r, pl.ds(ki * 16, 16)] = z
        return carry

    lax.fori_loop(0, CH, zrow, 0)
    for kk in range(4):
        pltpu.async_copy(rows_b, acc_sh.at[pl.ds(r0 + kk * CH, CH)], sem_gb)
    pltpu.async_copy(rows_b.at[pl.ds(0, RPT - 4 * CH)],
                     acc_sh.at[pl.ds(r0 + 4 * CH, RPT - 4 * CH)], sem_gb)
    for kk in range(4):
        pltpu.make_async_copy(rows_b, acc_sh.at[pl.ds(r0 + kk * CH, CH)],
                              sem_gb).wait()
    pltpu.make_async_copy(rows_b.at[pl.ds(0, RPT - 4 * CH)],
                          acc_sh.at[pl.ds(r0 + 4 * CH, RPT - 4 * CH)],
                          sem_gb).wait()
    plsc.subcore_barrier()


    def sup_body(sup, carry):
        o = lax.rem(sup, 2) * SUB
        o2 = lax.rem(sup + 1, 2) * SUB
        nb = (sup + 1) * SUB

        @pl.when(sup + 1 < NSUP)
        def _():
            pltpu.async_copy(src_hbm.at[w, pl.ds(nb, SUB)],
                             src_v.at[pl.ds(o2, SUB)], sem_i)
            pltpu.async_copy(dst_hbm.at[w, pl.ds(nb, SUB)],
                             dst_v.at[pl.ds(o2, SUB)], sem_i)

        for k in range(SUB):
            rbuf, rsem = (rows_a, sem_ga) if k % 2 == 0 else (rows_b, sem_gb)
            nbuf, nsem = (rows_b, sem_gb) if k % 2 == 0 else (rows_a, sem_ga)
            row = o + k
            pltpu.make_async_copy(feat_hbm.at[src_v.at[row]], rbuf, rsem).wait()
            if k < SUB - 1:
                pltpu.async_copy(feat_hbm.at[src_v.at[o + k + 1]], nbuf, nsem)
            else:
                @pl.when(sup + 1 < NSUP)
                def _():
                    pltpu.make_async_copy(src_hbm.at[w, pl.ds(nb, SUB)],
                                          src_v.at[pl.ds(o2, SUB)], sem_i).wait()
                    pltpu.make_async_copy(dst_hbm.at[w, pl.ds(nb, SUB)],
                                          dst_v.at[pl.ds(o2, SUB)], sem_i).wait()
                    pltpu.async_copy(feat_hbm.at[src_v.at[o2]], nbuf, nsem)
            pltpu.sync_copy(rbuf, acc_sh.at[dst_v.at[row]], add=True)
        return carry

    lax.fori_loop(0, NSUP, sup_body, 0)
    plsc.subcore_barrier()
    pltpu.sync_copy(acc_sh.at[pl.ds(r0, RPT)], out_hbm.at[c, pl.ds(r0, RPT)])


_agg = functools.partial(
    pl.kernel,
    mesh=plsc.VectorSubcoreMesh(core_axis_name="c", subcore_axis_name="s"),
    out_type=jax.ShapeDtypeStruct((NC, NP, D), jnp.float32),
    scratch_types=[
        pltpu.VMEM((2 * SUB, CH), jnp.int32),
        pltpu.VMEM((2 * SUB, CH), jnp.int32),
        pltpu.VMEM((CH, D), jnp.float32),
        pltpu.VMEM((CH, D), jnp.float32),
        pltpu.VMEM_SHARED((NP, D), jnp.float32),
        pltpu.SemaphoreType.DMA,
        pltpu.SemaphoreType.DMA,
        pltpu.SemaphoreType.DMA,
    ],
)(_agg_kernel)


BLK = 400


def _combine_body(feat_ref, part_ref, ws_ref, wn_ref, bs_ref, bn_ref, out_ref):
    x = feat_ref[...]
    p = part_ref[0] + part_ref[1]
    dn = (((1,), (1,)), ((), ()))
    out_ref[...] = (
        lax.dot_general(x, ws_ref[...], dn, preferred_element_type=jnp.float32)
        + lax.dot_general(p, wn_ref[...], dn, preferred_element_type=jnp.float32)
        + bs_ref[...] + bn_ref[...]
    )


def _combine(feat, partials, W_self, W_neigh, b_self, b_neigh):
    return pl.pallas_call(
        _combine_body,
        grid=(N // BLK,),
        in_specs=[
            pl.BlockSpec((BLK, D), lambda i: (i, 0)),
            pl.BlockSpec((NC, BLK, D), lambda i: (0, i, 0)),
            pl.BlockSpec((D, D), lambda i: (0, 0)),
            pl.BlockSpec((D, D), lambda i: (0, 0)),
            pl.BlockSpec((1, D), lambda i: (0, 0)),
            pl.BlockSpec((1, D), lambda i: (0, 0)),
        ],
        out_specs=pl.BlockSpec((BLK, D), lambda i: (i, 0)),
        out_shape=jax.ShapeDtypeStruct((N, D), jnp.float32),
    )(feat, partials, W_self, W_neigh,
      b_self.reshape(1, D), b_neigh.reshape(1, D))


def kernel(feat, edge_index, W_self, b_self, W_neigh, b_neigh):
    ei = edge_index.astype(jnp.int32)
    fill = jnp.arange(NW, dtype=jnp.int32)[:, None] * PAD + jnp.arange(
        PAD, dtype=jnp.int32)[None, :]
    pad_src = fill % N
    pad_dst = N + fill % (NP - N)
    src = jnp.concatenate([ei[0].reshape(NW, EPW), pad_src],
                          axis=1).reshape(NW, NCHUNK, CH)
    dst = jnp.concatenate([ei[1].reshape(NW, EPW), pad_dst],
                          axis=1).reshape(NW, NCHUNK, CH)
    partials = _agg(feat, src, dst)
    return _combine(feat, partials, W_self, W_neigh, b_self, b_neigh)

# --- scband reference (transcript-rebuilt; emitter-appended) ---
"""Pipeline reference for scband-sage-conv-22170621182315 (READ-ONLY COPY).

The authoritative reference and input builder live on the scoring server;
editing this copy changes nothing except your own understanding.
"""

import jax, jax.numpy as jnp
import numpy as np

N_NODES = 10000
N_EDGES = 320000
D_IN = 128
D_OUT = 128

def setup_inputs(seed: int = 0) -> dict:
    key = jax.random.key(seed)
    k1, k2, k3, k4, k5, k6 = jax.random.split(key, 6)
    feat = jax.random.normal(k1, (N_NODES, D_IN), dtype=jnp.float32)
    edge_index = jax.random.randint(k2, (2, N_EDGES), 0, N_NODES, dtype=jnp.int64)
    # xavier_uniform with gain for relu (gain = sqrt(2))
    gain = float(np.sqrt(2.0))
    limit = gain * float(np.sqrt(6.0 / (D_IN + D_OUT)))
    W_self = jax.random.uniform(k3, (D_OUT, D_IN), minval=-limit, maxval=limit, dtype=jnp.float32)
    W_neigh = jax.random.uniform(k4, (D_OUT, D_IN), minval=-limit, maxval=limit, dtype=jnp.float32)
    b_self = jnp.zeros((D_OUT,), dtype=jnp.float32)
    b_neigh = jnp.zeros((D_OUT,), dtype=jnp.float32)
    return {"feat": feat, "edge_index": edge_index, "W_self": W_self, "b_self": b_self, "W_neigh": W_neigh, "b_neigh": b_neigh}

def reference(feat, edge_index, W_self, b_self, W_neigh, b_neigh):
    # feat_drop with p=0.0 is identity; activation/norm are None
    feat_src = feat
    feat_dst = feat
    # h_self = feat_dst[:num_row]; num_row == N (full graph, square adjacency)
    h_self = feat_dst
    # csrmm(A, feat_src): sparse adjacency (binary values) times dense features
    # == scatter-add of gathered source features into destination rows
    src = edge_index[0]
    dst = edge_index[1]
    msgs = jnp.take(feat_src, src, axis=0)              # gather  [E, D_IN]
    h_neigh = jax.ops.segment_sum(msgs, dst, num_segments=feat.shape[0])  # scatter-add [N, D_IN]
    rst = h_self @ W_self.T + b_self + h_neigh @ W_neigh.T + b_neigh
    return rst

if __name__ == "__main__":
    import jax
    _d = setup_inputs()
    print(jax.jit(kernel)(*tuple(_d.values())))

</pallas_src>

<mosaic_0001>
#map = affine_map<(d0, d1) -> (0, 0)>
#map1 = affine_map<(d0, d1) -> (0, 0, 0)>
module attributes {stable_mosaic.version = 14 : i64} {
  func.func @_agg_kernel(%arg0: i32, %arg1: i32, %arg2: memref<10000x128xf32, #tpu.memory_space<hbm>>, %arg3: memref<32x80x128xi32, #tpu.memory_space<hbm>>, %arg4: memref<32x80x128xi32, #tpu.memory_space<hbm>>, %arg5: memref<2x10112x128xf32, #tpu.memory_space<hbm>>, %arg6: memref<16x128xi32, #tpu.memory_space<vmem>>, %arg7: memref<16x128xi32, #tpu.memory_space<vmem>>, %arg8: memref<128x128xf32, #tpu.memory_space<vmem>>, %arg9: memref<128x128xf32, #tpu.memory_space<vmem>>, %arg10: memref<10112x128xf32, #tpu.memory_space<vmem_shared>>, %arg11: memref<!tpu.dma_semaphore, #tpu.memory_space<semaphore_mem>>, %arg12: memref<!tpu.dma_semaphore, #tpu.memory_space<semaphore_mem>>, %arg13: memref<!tpu.dma_semaphore, #tpu.memory_space<semaphore_mem>>) attributes {dimension_semantics = [#tpu.dimension_semantics<core_parallel>, #tpu.dimension_semantics<subcore_parallel>], iteration_bounds = array<i64: 2, 16>, scalar_prefetch = 0 : i64, scratch_operands = 8 : i64, tpu.core_type = #tpu.core_type<sc_vector_subcore>, window_params = [{transform_indices = #map}, {transform_indices = #map1}, {transform_indices = #map1}, {transform_indices = #map1}]} {
    %mul3A = arith.constant 2 : i32
    %mul3A_0 = arith.muli %arg1, %mul3A : i32
    %add3A = arith.addi %mul3A_0, %arg0 : i32
    %mul3A_1 = arith.constant 632 : i32
    %mul3A_2 = arith.muli %arg1, %mul3A_1 : i32
    "tpu.region"() ({
      %run_scoped3A = tpu.sem_alloc : memref<!tpu.dma_semaphore, #tpu.memory_space<semaphore_mem>>
      %dma_start3A_93 = arith.constant 0 : i32
      %dma_start3A_94 = arith.constant 0 : i32
      %dma_start3A_95 = tpu.memref_slice %arg6[%dma_start3A_93, %dma_start3A_94] : memref<16x128xi32, #tpu.memory_space<vmem>> -> memref<8x128xi32, #tpu.memory_space<vmem>>
      %dma_start3A_96 = arith.constant 0 : i32
      %dma_start3A_97 = arith.constant 0 : i32
      %dma_start3A_98 = tpu.memref_slice %arg3[%add3A, %dma_start3A_96, %dma_start3A_97] : memref<32x80x128xi32, #tpu.memory_space<hbm>> -> memref<1x8x128xi32, #tpu.memory_space<hbm>>
      %dma_start3A_99 = tpu.memref_squeeze %dma_start3A_98 : memref<1x8x128xi32, #tpu.memory_space<hbm>> -> memref<8x128xi32, #tpu.memory_space<hbm>>
      %dma_start3A_100 = arith.constant 0 : i32
      %dma_start3A_101 = arith.constant 0 : i32
      %dma_start3A_102 = tpu.memref_slice %arg6[%dma_start3A_100, %dma_start3A_101] : memref<16x128xi32, #tpu.memory_space<vmem>> -> memref<8x128xi32, #tpu.memory_space<vmem>>
      %dma_start3A_103 = arith.constant 0 : i32
      %dma_start3A_104 = arith.constant 0 : i32
      %dma_start3A_105 = tpu.memref_slice %arg3[%add3A, %dma_start3A_103, %dma_start3A_104] : memref<32x80x128xi32, #tpu.memory_space<hbm>> -> memref<1x8x128xi32, #tpu.memory_space<hbm>>
      %dma_start3A_106 = tpu.memref_squeeze %dma_start3A_105 : memref<1x8x128xi32, #tpu.memory_space<hbm>> -> memref<8x128xi32, #tpu.memory_space<hbm>>
      tpu.enqueue_dma source(%dma_start3A_106 : memref<8x128xi32, #tpu.memory_space<hbm>>) target(%dma_start3A_102 : memref<8x128xi32, #tpu.memory_space<vmem>>) target_semaphore(%run_scoped3A : memref<!tpu.dma_semaphore, #tpu.memory_space<semaphore_mem>>)
      %dma_wait3A_107 = arith.constant 0 : i32
      %dma_wait3A_108 = arith.constant 0 : i32
      %dma_wait3A_109 = tpu.memref_slice %arg6[%dma_wait3A_107, %dma_wait3A_108] : memref<16x128xi32, #tpu.memory_space<vmem>> -> memref<8x128xi32, #tpu.memory_space<vmem>>
      %dma_wait3A_110 = arith.constant 0 : i32
      %dma_wait3A_111 = arith.constant 0 : i32
      %dma_wait3A_112 = tpu.memref_slice %arg3[%add3A, %dma_wait3A_110, %dma_wait3A_111] : memref<32x80x128xi32, #tpu.memory_space<hbm>> -> memref<1x8x128xi32, #tpu.memory_space<hbm>>
      %dma_wait3A_113 = tpu.memref_squeeze %dma_wait3A_112 : memref<1x8x128xi32, #tpu.memory_space<hbm>> -> memref<8x128xi32, #tpu.memory_space<hbm>>
      %dma_wait3A_114 = arith.constant 0 : i32
      %dma_wait3A_115 = arith.constant 0 : i32
      %dma_wait3A_116 = tpu.memref_slice %arg6[%dma_wait3A_114, %dma_wait3A_115] : memref<16x128xi32, #tpu.memory_space<vmem>> -> memref<8x128xi32, #tpu.memory_space<vmem>>
      %dma_wait3A_117 = arith.constant 0 : i32
      %dma_wait3A_118 = arith.constant 0 : i32
      %dma_wait3A_119 = tpu.memref_slice %arg3[%add3A, %dma_wait3A_117, %dma_wait3A_118] : memref<32x80x128xi32, #tpu.memory_space<hbm>> -> memref<1x8x128xi32, #tpu.memory_space<hbm>>
      %dma_wait3A_120 = tpu.memref_squeeze %dma_wait3A_119 : memref<1x8x128xi32, #tpu.memory_space<hbm>> -> memref<8x128xi32, #tpu.memory_space<hbm>>
      tpu.wait_dma2 semaphore(%run_scoped3A : memref<!tpu.dma_semaphore, #tpu.memory_space<semaphore_mem>>) src(%dma_wait3A_120 : memref<8x128xi32, #tpu.memory_space<hbm>>) dst(%dma_wait3A_116 : memref<8x128xi32, #tpu.memory_space<vmem>>)
      tpu.yield
    }) : () -> ()
    "tpu.region"() ({
      %run_scoped3A = tpu.sem_alloc : memref<!tpu.dma_semaphore, #tpu.memory_space<semaphore_mem>>
      %dma_start3A_93 = arith.constant 0 : i32
      %dma_start3A_94 = arith.constant 0 : i32
      %dma_start3A_95 = tpu.memref_slice %arg7[%dma_start3A_93, %dma_start3A_94] : memref<16x128xi32, #tpu.memory_space<vmem>> -> memref<8x128xi32, #tpu.memory_space<vmem>>
      %dma_start3A_96 = arith.constant 0 : i32
      %dma_start3A_97 = arith.constant 0 : i32
      %dma_start3A_98 = tpu.memref_slice %arg4[%add3A, %dma_start3A_96, %dma_start3A_97] : memref<32x80x128xi32, #tpu.memory_space<hbm>> -> memref<1x8x128xi32, #tpu.memory_space<hbm>>
      %dma_start3A_99 = tpu.memref_squeeze %dma_start3A_98 : memref<1x8x128xi32, #tpu.memory_space<hbm>> -> memref<8x128xi32, #tpu.memory_space<hbm>>
      %dma_start3A_100 = arith.constant 0 : i32
      %dma_start3A_101 = arith.constant 0 : i32
      %dma_start3A_102 = tpu.memref_slice %arg7[%dma_start3A_100, %dma_start3A_101] : memref<16x128xi32, #tpu.memory_space<vmem>> -> memref<8x128xi32, #tpu.memory_space<vmem>>
      %dma_start3A_103 = arith.constant 0 : i32
      %dma_start3A_104 = arith.constant 0 : i32
      %dma_start3A_105 = tpu.memref_slice %arg4[%add3A, %dma_start3A_103, %dma_start3A_104] : memref<32x80x128xi32, #tpu.memory_space<hbm>> -> memref<1x8x128xi32, #tpu.memory_space<hbm>>
      %dma_start3A_106 = tpu.memref_squeeze %dma_start3A_105 : memref<1x8x128xi32, #tpu.memory_space<hbm>> -> memref<8x128xi32, #tpu.memory_space<hbm>>
      tpu.enqueue_dma source(%dma_start3A_106 : memref<8x128xi32, #tpu.memory_space<hbm>>) target(%dma_start3A_102 : memref<8x128xi32, #tpu.memory_space<vmem>>) target_semaphore(%run_scoped3A : memref<!tpu.dma_semaphore, #tpu.memory_space<semaphore_mem>>)
      %dma_wait3A_107 = arith.constant 0 : i32
      %dma_wait3A_108 = arith.constant 0 : i32
      %dma_wait3A_109 = tpu.memref_slice %arg7[%dma_wait3A_107, %dma_wait3A_108] : memref<16x128xi32, #tpu.memory_space<vmem>> -> memref<8x128xi32, #tpu.memory_space<vmem>>
      %dma_wait3A_110 = arith.constant 0 : i32
      %dma_wait3A_111 = arith.constant 0 : i32
      %dma_wait3A_112 = tpu.memref_slice %arg4[%add3A, %dma_wait3A_110, %dma_wait3A_111] : memref<32x80x128xi32, #tpu.memory_space<hbm>> -> memref<1x8x128xi32, #tpu.memory_space<hbm>>
      %dma_wait3A_113 = tpu.memref_squeeze %dma_wait3A_112 : memref<1x8x128xi32, #tpu.memory_space<hbm>> -> memref<8x128xi32, #tpu.memory_space<hbm>>
      %dma_wait3A_114 = arith.constant 0 : i32
      %dma_wait3A_115 = arith.constant 0 : i32
      %dma_wait3A_116 = tpu.memref_slice %arg7[%dma_wait3A_114, %dma_wait3A_115] : memref<16x128xi32, #tpu.memory_space<vmem>> -> memref<8x128xi32, #tpu.memory_space<vmem>>
      %dma_wait3A_117 = arith.constant 0 : i32
      %dma_wait3A_118 = arith.constant 0 : i32
      %dma_wait3A_119 = tpu.memref_slice %arg4[%add3A, %dma_wait3A_117, %dma_wait3A_118] : memref<32x80x128xi32, #tpu.memory_space<hbm>> -> memref<1x8x128xi32, #tpu.memory_space<hbm>>
      %dma_wait3A_120 = tpu.memref_squeeze %dma_wait3A_119 : memref<1x8x128xi32, #tpu.memory_space<hbm>> -> memref<8x128xi32, #tpu.memory_space<hbm>>
      tpu.wait_dma2 semaphore(%run_scoped3A : memref<!tpu.dma_semaphore, #tpu.memory_space<semaphore_mem>>) src(%dma_wait3A_120 : memref<8x128xi32, #tpu.memory_space<hbm>>) dst(%dma_wait3A_116 : memref<8x128xi32, #tpu.memory_space<vmem>>)
      tpu.yield
    }) : () -> ()
    %dma_start3A = arith.constant 0 : i32
    %dma_start3A_3 = arith.constant 0 : i32
    %dma_start3A_4 = tpu.memref_slice %arg6[%dma_start3A, %dma_start3A_3] : memref<16x128xi32, #tpu.memory_space<vmem>> -> memref<1x128xi32, #tpu.memory_space<vmem>>
    %dma_start3A_5 = tpu.memref_squeeze %dma_start3A_4 : memref<1x128xi32, #tpu.memory_space<vmem>> -> memref<128xi32, #tpu.memory_space<vmem>>
    %dma_start3A_6 = arith.constant 0 : i32
    %dma_start3A_7 = arith.constant 0 : i32
    %dma_start3A_8 = tpu.memref_slice %arg2[%dma_start3A_6, %dma_start3A_7] : memref<10000x128xf32, #tpu.memory_space<hbm>> -> memref<10000x128xf32, #tpu.memory_space<hbm>>
    tpu.enqueue_indirect_dma source(%dma_start3A_8 : memref<10000x128xf32, #tpu.memory_space<hbm>>) target(%arg8 : memref<128x128xf32, #tpu.memory_space<vmem>>) offsets(%dma_start3A_5 : memref<128xi32, #tpu.memory_space<vmem>>) semaphore(%arg11 : memref<!tpu.dma_semaphore, #tpu.memory_space<semaphore_mem>>)
    %broadcast_in_dim3A = arith.constant 0.000000e+00 : f32
    %broadcast_in_dim3A_9 = vector.broadcast %broadcast_in_dim3A : f32 to vector<16xf32>
    %scan3A = arith.constant 0 : i32
    %scan3A_10 = arith.constant 0 : i32
    %scan3A_11 = arith.constant 128 : i32
    %scan3A_12 = arith.addi %scan3A_10, %scan3A_11 : i32
    %scan3A_13 = arith.constant 1 : i32
    scf.for %scan3A_93 = %scan3A_10 to %scan3A_12 step %scan3A_13  : i32 {
      %swap3A = arith.index_cast %scan3A_93 : i32 to index
      %swap3A_94 = arith.constant 0 : index
      %swap3A_95 = tpu.vector_load %arg9[%swap3A, %swap3A_94] {strides = array<i32>} : memref<128x128xf32, #tpu.memory_space<vmem>>, vector<1x16xf32>,
      %swap3A_96 = vector.shape_cast %swap3A_95 : vector<1x16xf32> to vector<16xf32>
      %swap3A_97 = vector.shape_cast %broadcast_in_dim3A_9 : vector<16xf32> to vector<1x16xf32>
      tpu.vector_store %arg9[%swap3A, %swap3A_94], %swap3A_97 {strides = array<i32>} : memref<128x128xf32, #tpu.memory_space<vmem>>, vector<1x16xf32>,
      %swap3A_98 = arith.index_cast %scan3A_93 : i32 to index
      %swap3A_99 = arith.constant 16 : index
      %swap3A_100 = tpu.vector_load %arg9[%swap3A_98, %swap3A_99] {strides = array<i32>} : memref<128x128xf32, #tpu.memory_space<vmem>>, vector<1x16xf32>,
      %swap3A_101 = vector.shape_cast %swap3A_100 : vector<1x16xf32> to vector<16xf32>
      %swap3A_102 = vector.shape_cast %broadcast_in_dim3A_9 : vector<16xf32> to vector<1x16xf32>
      tpu.vector_store %arg9[%swap3A_98, %swap3A_99], %swap3A_102 {strides = array<i32>} : memref<128x128xf32, #tpu.memory_space<vmem>>, vector<1x16xf32>,
      %swap3A_103 = arith.index_cast %scan3A_93 : i32 to index
      %swap3A_104 = arith.constant 32 : index
      %swap3A_105 = tpu.vector_load %arg9[%swap3A_103, %swap3A_104] {strides = array<i32>} : memref<128x128xf32, #tpu.memory_space<vmem>>, vector<1x16xf32>,
      %swap3A_106 = vector.shape_cast %swap3A_105 : vector<1x16xf32> to vector<16xf32>
      %swap3A_107 = vector.shape_cast %broadcast_in_dim3A_9 : vector<16xf32> to vector<1x16xf32>
      tpu.vector_store %arg9[%swap3A_103, %swap3A_104], %swap3A_107 {strides = array<i32>} : memref<128x128xf32, #tpu.memory_space<vmem>>, vector<1x16xf32>,
      %swap3A_108 = arith.index_cast %scan3A_93 : i32 to index
      %swap3A_109 = arith.constant 48 : index
      %swap3A_110 = tpu.vector_load %arg9[%swap3A_108, %swap3A_109] {strides = array<i32>} : memref<128x128xf32, #tpu.memory_space<vmem>>, vector<1x16xf32>,
      %swap3A_111 = vector.shape_cast %swap3A_110 : vector<1x16xf32> to vector<16xf32>
      %swap3A_112 = vector.shape_cast %broadcast_in_dim3A_9 : vector<16xf32> to vector<1x16xf32>
      tpu.vector_store %arg9[%swap3A_108, %swap3A_109], %swap3A_112 {strides = array<i32>} : memref<128x128xf32, #tpu.memory_space<vmem>>, vector<1x16xf32>,
      %swap3A_113 = arith.index_cast %scan3A_93 : i32 to index
      %swap3A_114 = arith.constant 64 : index
      %swap3A_115 = tpu.vector_load %arg9[%swap3A_113, %swap3A_114] {strides = array<i32>} : memref<128x128xf32, #tpu.memory_space<vmem>>, vector<1x16xf32>,
      %swap3A_116 = vector.shape_cast %swap3A_115 : vector<1x16xf32> to vector<16xf32>
      %swap3A_117 = vector.shape_cast %broadcast_in_dim3A_9 : vector<16xf32> to vector<1x16xf32>
      tpu.vector_store %arg9[%swap3A_113, %swap3A_114], %swap3A_117 {strides = array<i32>} : memref<128x128xf32, #tpu.memory_space<vmem>>, vector<1x16xf32>,
      %swap3A_118 = arith.index_cast %scan3A_93 : i32 to index
      %swap3A_119 = arith.constant 80 : index
      %swap3A_120 = tpu.vector_load %arg9[%swap3A_118, %swap3A_119] {strides = array<i32>} : memref<128x128xf32, #tpu.memory_space<vmem>>, vector<1x16xf32>,
      %swap3A_121 = vector.shape_cast %swap3A_120 : vector<1x16xf32> to vector<16xf32>
      %swap3A_122 = vector.shape_cast %broadcast_in_dim3A_9 : vector<16xf32> to vector<1x16xf32>
      tpu.vector_store %arg9[%swap3A_118, %swap3A_119], %swap3A_122 {strides = array<i32>} : memref<128x128xf32, #tpu.memory_space<vmem>>, vector<1x16xf32>,
      %swap3A_123 = arith.index_cast %scan3A_93 : i32 to index
      %swap3A_124 = arith.constant 96 : index
      %swap3A_125 = tpu.vector_load %arg9[%swap3A_123, %swap3A_124] {strides = array<i32>} : memref<128x128xf32, #tpu.memory_space<vmem>>, vector<1x16xf32>,
      %swap3A_126 = vector.shape_cast %swap3A_125 : vector<1x16xf32> to vector<16xf32>
      %swap3A_127 = vector.shape_cast %broadcast_in_dim3A_9 : vector<16xf32> to vector<1x16xf32>
      tpu.vector_store %arg9[%swap3A_123, %swap3A_124], %swap3A_127 {strides = array<i32>} : memref<128x128xf32, #tpu.memory_space<vmem>>, vector<1x16xf32>,
      %swap3A_128 = arith.index_cast %scan3A_93 : i32 to index
      %swap3A_129 = arith.constant 112 : index
      %swap3A_130 = tpu.vector_load %arg9[%swap3A_128, %swap3A_129] {strides = array<i32>} : memref<128x128xf32, #tpu.memory_space<vmem>>, vector<1x16xf32>,
      %swap3A_131 = vector.shape_cast %swap3A_130 : vector<1x16xf32> to vector<16xf32>
      %swap3A_132 = vector.shape_cast %broadcast_in_dim3A_9 : vector<16xf32> to vector<1x16xf32>
      tpu.vector_store %arg9[%swap3A_128, %swap3A_129], %swap3A_132 {strides = array<i32>} : memref<128x128xf32, #tpu.memory_space<vmem>>, vector<1x16xf32>,
    }
    %scan3A_14 = arith.constant 128 : i32
    %add3A_15 = arith.constant 0 : i32
    %add3A_16 = arith.addi %mul3A_2, %add3A_15 : i32
    %dma_start3A_17 = arith.constant 0 : i32
    %dma_start3A_18 = tpu.memref_slice %arg10[%add3A_16, %dma_start3A_17] : memref<10112x128xf32, #tpu.memory_space<vmem_shared>> -> memref<128x128xf32, #tpu.memory_space<vmem_shared>>
    %dma_start3A_19 = arith.constant 0 : i32
    %dma_start3A_20 = tpu.memref_slice %arg10[%add3A_16, %dma_start3A_19] : memref<10112x128xf32, #tpu.memory_space<vmem_shared>> -> memref<128x128xf32, #tpu.memory_space<vmem_shared>>
    tpu.enqueue_dma source(%arg9 : memref<128x128xf32, #tpu.memory_space<vmem>>) target(%dma_start3A_20 : memref<128x128xf32, #tpu.memory_space<vmem_shared>>) target_semaphore(%arg12 : memref<!tpu.dma_semaphore, #tpu.memory_space<semaphore_mem>>)
    %add3A_21 = arith.constant 128 : i32
    %add3A_22 = arith.addi %mul3A_2, %add3A_21 : i32
    %dma_start3A_23 = arith.constant 0 : i32
    %dma_start3A_24 = tpu.memref_slice %arg10[%add3A_22, %dma_start3A_23] : memref<10112x128xf32, #tpu.memory_space<vmem_shared>> -> memref<128x128xf32, #tpu.memory_space<vmem_shared>>
    %dma_start3A_25 = arith.constant 0 : i32
    %dma_start3A_26 = tpu.memref_slice %arg10[%add3A_22, %dma_start3A_25] : memref<10112x128xf32, #tpu.memory_space<vmem_shared>> -> memref<128x128xf32, #tpu.memory_space<vmem_shared>>
    tpu.enqueue_dma source(%arg9 : memref<128x128xf32, #tpu.memory_space<vmem>>) target(%dma_start3A_26 : memref<128x128xf32, #tpu.memory_space<vmem_shared>>) target_semaphore(%arg12 : memref<!tpu.dma_semaphore, #tpu.memory_space<semaphore_mem>>)
    %add3A_27 = arith.constant 256 : i32
    %add3A_28 = arith.addi %mul3A_2, %add3A_27 : i32
    %dma_start3A_29 = arith.constant 0 : i32
    %dma_start3A_30 = tpu.memref_slice %arg10[%add3A_28, %dma_start3A_29] : memref<10112x128xf32, #tpu.memory_space<vmem_shared>> -> memref<128x128xf32, #tpu.memory_space<vmem_shared>>
    %dma_start3A_31 = arith.constant 0 : i32
    %dma_start3A_32 = tpu.memref_slice %arg10[%add3A_28, %dma_start3A_31] : memref<10112x128xf32, #tpu.memory_space<vmem_shared>> -> memref<128x128xf32, #tpu.memory_space<vmem_shared>>
    tpu.enqueue_dma source(%arg9 : memref<128x128xf32, #tpu.memory_space<vmem>>) target(%dma_start3A_32 : memref<128x128xf32, #tpu.memory_space<vmem_shared>>) target_semaphore(%arg12 : memref<!tpu.dma_semaphore, #tpu.memory_space<semaphore_mem>>)
    %add3A_33 = arith.constant 384 : i32
    %add3A_34 = arith.addi %mul3A_2, %add3A_33 : i32
    %dma_start3A_35 = arith.constant 0 : i32
    %dma_start3A_36 = tpu.memref_slice %arg10[%add3A_34, %dma_start3A_35] : memref<10112x128xf32, #tpu.memory_space<vmem_shared>> -> memref<128x128xf32, #tpu.memory_space<vmem_shared>>
    %dma_start3A_37 = arith.constant 0 : i32
    %dma_start3A_38 = tpu.memref_slice %arg10[%add3A_34, %dma_start3A_37] : memref<10112x128xf32, #tpu.memory_space<vmem_shared>> -> memref<128x128xf32, #tpu.memory_space<vmem_shared>>
    tpu.enqueue_dma source(%arg9 : memref<128x128xf32, #tpu.memory_space<vmem>>) target(%dma_start3A_38 : memref<128x128xf32, #tpu.memory_space<vmem_shared>>) target_semaphore(%arg12 : memref<!tpu.dma_semaphore, #tpu.memory_space<semaphore_mem>>)
    %add3A_39 = arith.constant 512 : i32
    %add3A_40 = arith.addi %mul3A_2, %add3A_39 : i32
    %dma_start3A_41 = arith.constant 0 : i32
    %dma_start3A_42 = arith.constant 0 : i32
    %dma_start3A_43 = tpu.memref_slice %arg9[%dma_start3A_41, %dma_start3A_42] : memref<128x128xf32, #tpu.memory_space<vmem>> -> memref<120x128xf32, #tpu.memory_space<vmem>>
    %dma_start3A_44 = arith.constant 0 : i32
    %dma_start3A_45 = tpu.memref_slice %arg10[%add3A_40, %dma_start3A_44] : memref<10112x128xf32, #tpu.memory_space<vmem_shared>> -> memref<120x128xf32, #tpu.memory_space<vmem_shared>>
    %dma_start3A_46 = arith.constant 0 : i32
    %dma_start3A_47 = tpu.memref_slice %arg10[%add3A_40, %dma_start3A_46] : memref<10112x128xf32, #tpu.memory_space<vmem_shared>> -> memref<120x128xf32, #tpu.memory_space<vmem_shared>>
    %dma_start3A_48 = arith.constant 0 : i32
    %dma_start3A_49 = arith.constant 0 : i32
    %dma_start3A_50 = tpu.memref_slice %arg9[%dma_start3A_48, %dma_start3A_49] : memref<128x128xf32, #tpu.memory_space<vmem>> -> memref<120x128xf32, #tpu.memory_space<vmem>>
    tpu.enqueue_dma source(%dma_start3A_50 : memref<120x128xf32, #tpu.memory_space<vmem>>) target(%dma_start3A_47 : memref<120x128xf32, #tpu.memory_space<vmem_shared>>) target_semaphore(%arg12 : memref<!tpu.dma_semaphore, #tpu.memory_space<semaphore_mem>>)
    %add3A_51 = arith.constant 0 : i32
    %add3A_52 = arith.addi %mul3A_2, %add3A_51 : i32
    %dma_wait3A = arith.constant 0 : i32
    %dma_wait3A_53 = tpu.memref_slice %arg10[%add3A_52, %dma_wait3A] : memref<10112x128xf32, #tpu.memory_space<vmem_shared>> -> memref<128x128xf32, #tpu.memory_space<vmem_shared>>
    %dma_wait3A_54 = arith.constant 0 : i32
    %dma_wait3A_55 = tpu.memref_slice %arg10[%add3A_52, %dma_wait3A_54] : memref<10112x128xf32, #tpu.memory_space<vmem_shared>> -> memref<128x128xf32, #tpu.memory_space<vmem_shared>>
    tpu.wait_dma2 semaphore(%arg12 : memref<!tpu.dma_semaphore, #tpu.memory_space<semaphore_mem>>) src(%arg9 : memref<128x128xf32, #tpu.memory_space<vmem>>) dst(%dma_wait3A_55 : memref<128x128xf32, #tpu.memory_space<vmem_shared>>)
    %add3A_56 = arith.constant 128 : i32
    %add3A_57 = arith.addi %mul3A_2, %add3A_56 : i32
    %dma_wait3A_58 = arith.constant 0 : i32
    %dma_wait3A_59 = tpu.memref_slice %arg10[%add3A_57, %dma_wait3A_58] : memref<10112x128xf32, #tpu.memory_space<vmem_shared>> -> memref<128x128xf32, #tpu.memory_space<vmem_shared>>
    %dma_wait3A_60 = arith.constant 0 : i32
    %dma_wait3A_61 = tpu.memref_slice %arg10[%add3A_57, %dma_wait3A_60] : memref<10112x128xf32, #tpu.memory_space<vmem_shared>> -> memref<128x128xf32, #tpu.memory_space<vmem_shared>>
    tpu.wait_dma2 semaphore(%arg12 : memref<!tpu.dma_semaphore, #tpu.memory_space<semaphore_mem>>) src(%arg9 : memref<128x128xf32, #tpu.memory_space<vmem>>) dst(%dma_wait3A_61 : memref<128x128xf32, #tpu.memory_space<vmem_shared>>)
    %add3A_62 = arith.constant 256 : i32
    %add3A_63 = arith.addi %mul3A_2, %add3A_62 : i32
    %dma_wait3A_64 = arith.constant 0 : i32
    %dma_wait3A_65 = tpu.memref_slice %arg10[%add3A_63, %dma_wait3A_64] : memref<10112x128xf32, #tpu.memory_space<vmem_shared>> -> memref<128x128xf32, #tpu.memory_space<vmem_shared>>
    %dma_wait3A_66 = arith.constant 0 : i32
    %dma_wait3A_67 = tpu.memref_slice %arg10[%add3A_63, %dma_wait3A_66] : memref<10112x128xf32, #tpu.memory_space<vmem_shared>> -> memref<128x128xf32, #tpu.memory_space<vmem_shared>>
    tpu.wait_dma2 semaphore(%arg12 : memref<!tpu.dma_semaphore, #tpu.memory_space<semaphore_mem>>) src(%arg9 : memref<128x128xf32, #tpu.memory_space<vmem>>) dst(%dma_wait3A_67 : memref<128x128xf32, #tpu.memory_space<vmem_shared>>)
    %add3A_68 = arith.constant 384 : i32
    %add3A_69 = arith.addi %mul3A_2, %add3A_68 : i32
    %dma_wait3A_70 = arith.constant 0 : i32
    %dma_wait3A_71 = tpu.memref_slice %arg10[%add3A_69, %dma_wait3A_70] : memref<10112x128xf32, #tpu.memory_space<vmem_shared>> -> memref<128x128xf32, #tpu.memory_space<vmem_shared>>
    %dma_wait3A_72 = arith.constant 0 : i32
    %dma_wait3A_73 = tpu.memref_slice %arg10[%add3A_69, %dma_wait3A_72] : memref<10112x128xf32, #tpu.memory_space<vmem_shared>> -> memref<128x128xf32, #tpu.memory_space<vmem_shared>>
    tpu.wait_dma2 semaphore(%arg12 : memref<!tpu.dma_semaphore, #tpu.memory_space<semaphore_mem>>) src(%arg9 : memref<128x128xf32, #tpu.memory_space<vmem>>) dst(%dma_wait3A_73 : memref<128x128xf32, #tpu.memory_space<vmem_shared>>)
    %add3A_74 = arith.constant 512 : i32
    %add3A_75 = arith.addi %mul3A_2, %add3A_74 : i32
    %dma_wait3A_76 = arith.constant 0 : i32
    %dma_wait3A_77 = arith.constant 0 : i32
    %dma_wait3A_78 = tpu.memref_slice %arg9[%dma_wait3A_76, %dma_wait3A_77] : memref<128x128xf32, #tpu.memory_space<vmem>> -> memref<120x128xf32, #tpu.memory_space<vmem>>
    %dma_wait3A_79 = arith.constant 0 : i32
    %dma_wait3A_80 = tpu.memref_slice %arg10[%add3A_75, %dma_wait3A_79] : memref<10112x128xf32, #tpu.memory_space<vmem_shared>> -> memref<120x128xf32, #tpu.memory_space<vmem_shared>>
    %dma_wait3A_81 = arith.constant 0 : i32
    %dma_wait3A_82 = tpu.memref_slice %arg10[%add3A_75, %dma_wait3A_81] : memref<10112x128xf32, #tpu.memory_space<vmem_shared>> -> memref<120x128xf32, #tpu.memory_space<vmem_shared>>
    %dma_wait3A_83 = arith.constant 0 : i32
    %dma_wait3A_84 = arith.constant 0 : i32
    %dma_wait3A_85 = tpu.memref_slice %arg9[%dma_wait3A_83, %dma_wait3A_84] : memref<128x128xf32, #tpu.memory_space<vmem>> -> memref<120x128xf32, #tpu.memory_space<vmem>>
    tpu.wait_dma2 semaphore(%arg12 : memref<!tpu.dma_semaphore, #tpu.memory_space<semaphore_mem>>) src(%dma_wait3A_85 : memref<120x128xf32, #tpu.memory_space<vmem>>) dst(%dma_wait3A_82 : memref<120x128xf32, #tpu.memory_space<vmem_shared>>)
    %barrier3A = arith.constant 0 : index
    tpu.barrier barrier_id(%barrier3A)
    %scan3A_86 = arith.constant 0 : i32
    %scan3A_87 = arith.constant 0 : i32
    %scan3A_88 = arith.constant 10 : i32
    %scan3A_89 = arith.addi %scan3A_87, %scan3A_88 : i32
    %scan3A_90 = arith.constant 1 : i32
    scf.for %scan3A_93 = %scan3A_87 to %scan3A_89 step %scan3A_90  : i32 {
      %rem3A = arith.constant 2 : i32
      %rem3A_94 = arith.remsi %scan3A_93, %rem3A : i32
      %mul3A_95 = arith.constant 8 : i32
      %mul3A_96 = arith.muli %rem3A_94, %mul3A_95 : i32
      %add3A_97 = arith.constant 1 : i32
      %add3A_98 = arith.addi %scan3A_93, %add3A_97 : i32
      %rem3A_99 = arith.constant 2 : i32
      %rem3A_100 = arith.remsi %add3A_98, %rem3A_99 : i32
      %mul3A_101 = arith.constant 8 : i32
      %mul3A_102 = arith.muli %rem3A_100, %mul3A_101 : i32
      %add3A_103 = arith.constant 1 : i32
      %add3A_104 = arith.addi %scan3A_93, %add3A_103 : i32
      %mul3A_105 = arith.constant 8 : i32
      %mul3A_106 = arith.muli %add3A_104, %mul3A_105 : i32
      %add3A_107 = arith.constant 1 : i32
      %add3A_108 = arith.addi %scan3A_93, %add3A_107 : i32
      %lt3A = arith.constant 10 : i32
      %lt3A_109 = arith.cmpi slt, %add3A_108, %lt3A : i32
      %convert_element_type3A = arith.extui %lt3A_109 : i1 to i32
      %cond3A = arith.constant 0 : i32
      %cond3A_110 = arith.cmpi ne, %convert_element_type3A, %cond3A : i32
      scf.if %cond3A_110 {
        %dma_start3A_252 = arith.constant 0 : i32
        %dma_start3A_253 = tpu.memref_slice %arg6[%mul3A_102, %dma_start3A_252] : memref<16x128xi32, #tpu.memory_space<vmem>> -> memref<8x128xi32, #tpu.memory_space<vmem>>
        %dma_start3A_254 = arith.constant 0 : i32
        %dma_start3A_255 = tpu.memref_slice %arg3[%add3A, %mul3A_106, %dma_start3A_254] : memref<32x80x128xi32, #tpu.memory_space<hbm>> -> memref<1x8x128xi32, #tpu.memory_space<hbm>>
        %dma_start3A_256 = tpu.memref_squeeze %dma_start3A_255 : memref<1x8x128xi32, #tpu.memory_space<hbm>> -> memref<8x128xi32, #tpu.memory_space<hbm>>
        %dma_start3A_257 = arith.constant 0 : i32
        %dma_start3A_258 = tpu.memref_slice %arg6[%mul3A_102, %dma_start3A_257] : memref<16x128xi32, #tpu.memory_space<vmem>> -> memref<8x128xi32, #tpu.memory_space<vmem>>
        %dma_start3A_259 = arith.constant 0 : i32
        %dma_start3A_260 = tpu.memref_slice %arg3[%add3A, %mul3A_106, %dma_start3A_259] : memref<32x80x128xi32, #tpu.memory_space<hbm>> -> memref<1x8x128xi32, #tpu.memory_space<hbm>>
        %dma_start3A_261 = tpu.memref_squeeze %dma_start3A_260 : memref<1x8x128xi32, #tpu.memory_space<hbm>> -> memref<8x128xi32, #tpu.memory_space<hbm>>
        tpu.enqueue_dma source(%dma_start3A_261 : memref<8x128xi32, #tpu.memory_space<hbm>>) target(%dma_start3A_258 : memref<8x128xi32, #tpu.memory_space<vmem>>) target_semaphore(%arg13 : memref<!tpu.dma_semaphore, #tpu.memory_space<semaphore_mem>>)
        %dma_start3A_262 = arith.constant 0 : i32
        %dma_start3A_263 = tpu.memref_slice %arg7[%mul3A_102, %dma_start3A_262] : memref<16x128xi32, #tpu.memory_space<vmem>> -> memref<8x128xi32, #tpu.memory_space<vmem>>
        %dma_start3A_264 = arith.constant 0 : i32
        %dma_start3A_265 = tpu.memref_slice %arg4[%add3A, %mul3A_106, %dma_start3A_264] : memref<32x80x128xi32, #tpu.memory_space<hbm>> -> memref<1x8x128xi32, #tpu.memory_space<hbm>>
        %dma_start3A_266 = tpu.memref_squeeze %dma_start3A_265 : memref<1x8x128xi32, #tpu.memory_space<hbm>> -> memref<8x128xi32, #tpu.memory_space<hbm>>
        %dma_start3A_267 = arith.constant 0 : i32
        %dma_start3A_268 = tpu.memref_slice %arg7[%mul3A_102, %dma_start3A_267] : memref<16x128xi32, #tpu.memory_space<vmem>> -> memref<8x128xi32, #tpu.memory_space<vmem>>
        %dma_start3A_269 = arith.constant 0 : i32
        %dma_start3A_270 = tpu.memref_slice %arg4[%add3A, %mul3A_106, %dma_start3A_269] : memref<32x80x128xi32, #tpu.memory_space<hbm>> -> memref<1x8x128xi32, #tpu.memory_space<hbm>>
        %dma_start3A_271 = tpu.memref_squeeze %dma_start3A_270 : memref<1x8x128xi32, #tpu.memory_space<hbm>> -> memref<8x128xi32, #tpu.memory_space<hbm>>
        tpu.enqueue_dma source(%dma_start3A_271 : memref<8x128xi32, #tpu.memory_space<hbm>>) target(%dma_start3A_268 : memref<8x128xi32, #tpu.memory_space<vmem>>) target_semaphore(%arg13 : memref<!tpu.dma_semaphore, #tpu.memory_space<semaphore_mem>>)
      } else {
      }
      %add3A_111 = arith.constant 0 : i32
      %add3A_112 = arith.addi %mul3A_96, %add3A_111 : i32
      %dma_wait3A_113 = arith.constant 0 : i32
      %dma_wait3A_114 = tpu.memref_slice %arg6[%add3A_112, %dma_wait3A_113] : memref<16x128xi32, #tpu.memory_space<vmem>> -> memref<1x128xi32, #tpu.memory_space<vmem>>
      %dma_wait3A_115 = tpu.memref_squeeze %dma_wait3A_114 : memref<1x128xi32, #tpu.memory_space<vmem>> -> memref<128xi32, #tpu.memory_space<vmem>>
      %dma_wait3A_116 = arith.constant 0 : i32
      %dma_wait3A_117 = arith.constant 0 : i32
      %dma_wait3A_118 = tpu.memref_slice %arg2[%dma_wait3A_116, %dma_wait3A_117] : memref<10000x128xf32, #tpu.memory_space<hbm>> -> memref<10000x128xf32, #tpu.memory_space<hbm>>
      tpu.wait_indirect_dma semaphore(%arg11 : memref<!tpu.dma_semaphore, #tpu.memory_space<semaphore_mem>>) src(%dma_wait3A_118 : memref<10000x128xf32, #tpu.memory_space<hbm>>) dst(%arg8 : memref<128x128xf32, #tpu.memory_space<vmem>>)
      %add3A_119 = arith.constant 0 : i32
      %add3A_120 = arith.addi %mul3A_96, %add3A_119 : i32
      %add3A_121 = arith.constant 1 : i32
      %add3A_122 = arith.addi %add3A_120, %add3A_121 : i32
      %dma_start3A_123 = arith.constant 0 : i32
      %dma_start3A_124 = tpu.memref_slice %arg6[%add3A_122, %dma_start3A_123] : memref<16x128xi32, #tpu.memory_space<vmem>> -> memref<1x128xi32, #tpu.memory_space<vmem>>
      %dma_start3A_125 = tpu.memref_squeeze %dma_start3A_124 : memref<1x128xi32, #tpu.memory_space<vmem>> -> memref<128xi32, #tpu.memory_space<vmem>>
      %dma_start3A_126 = arith.constant 0 : i32
      %dma_start3A_127 = arith.constant 0 : i32
      %dma_start3A_128 = tpu.memref_slice %arg2[%dma_start3A_126, %dma_start3A_127] : memref<10000x128xf32, #tpu.memory_space<hbm>> -> memref<10000x128xf32, #tpu.memory_space<hbm>>
      tpu.enqueue_indirect_dma source(%dma_start3A_128 : memref<10000x128xf32, #tpu.memory_space<hbm>>) target(%arg9 : memref<128x128xf32, #tpu.memory_space<vmem>>) offsets(%dma_start3A_125 : memref<128xi32, #tpu.memory_space<vmem>>) semaphore(%arg12 : memref<!tpu.dma_semaphore, #tpu.memory_space<semaphore_mem>>)
      "tpu.region"() ({
        %run_scoped3A = tpu.sem_alloc : memref<!tpu.dma_semaphore, #tpu.memory_space<semaphore_mem>>
        %dma_start3A_252 = arith.constant 0 : i32
        %dma_start3A_253 = tpu.memref_slice %arg7[%add3A_112, %dma_start3A_252] : memref<16x128xi32, #tpu.memory_space<vmem>> -> memref<1x128xi32, #tpu.memory_space<vmem>>
        %dma_start3A_254 = tpu.memref_squeeze %dma_start3A_253 : memref<1x128xi32, #tpu.memory_space<vmem>> -> memref<128xi32, #tpu.memory_space<vmem>>
        %dma_start3A_255 = arith.constant 0 : i32
        %dma_start3A_256 = arith.constant 0 : i32
        %dma_start3A_257 = tpu.memref_slice %arg10[%dma_start3A_255, %dma_start3A_256] : memref<10112x128xf32, #tpu.memory_space<vmem_shared>> -> memref<10112x128xf32, #tpu.memory_space<vmem_shared>>
        tpu.enqueue_indirect_dma source(%arg8 : memref<128x128xf32, #tpu.memory_space<vmem>>) target(%dma_start3A_257 : memref<10112x128xf32, #tpu.memory_space<vmem_shared>>) offsets(%dma_start3A_254 : memref<128xi32, #tpu.memory_space<vmem>>) semaphore(%run_scoped3A : memref<!tpu.dma_semaphore, #tpu.memory_space<semaphore_mem>>) {add = true}
        %dma_wait3A_258 = arith.constant 0 : i32
        %dma_wait3A_259 = tpu.memref_slice %arg7[%add3A_112, %dma_wait3A_258] : memref<16x128xi32, #tpu.memory_space<vmem>> -> memref<1x128xi32, #tpu.memory_space<vmem>>
        %dma_wait3A_260 = tpu.memref_squeeze %dma_wait3A_259 : memref<1x128xi32, #tpu.memory_space<vmem>> -> memref<128xi32, #tpu.memory_space<vmem>>
        %dma_wait3A_261 = arith.constant 0 : i32
        %dma_wait3A_262 = arith.constant 0 : i32
        %dma_wait3A_263 = tpu.memref_slice %arg10[%dma_wait3A_261, %dma_wait3A_262] : memref<10112x128xf32, #tpu.memory_space<vmem_shared>> -> memref<10112x128xf32, #tpu.memory_space<vmem_shared>>
        tpu.wait_indirect_dma semaphore(%run_scoped3A : memref<!tpu.dma_semaphore, #tpu.memory_space<semaphore_mem>>) src(%arg8 : memref<128x128xf32, #tpu.memory_space<vmem>>) dst(%dma_wait3A_263 : memref<10112x128xf32, #tpu.memory_space<vmem_shared>>)
        tpu.yield
      }) : () -> ()
      %add3A_129 = arith.constant 1 : i32
      %add3A_130 = arith.addi %mul3A_96, %add3A_129 : i32
      %dma_wait3A_131 = arith.constant 0 : i32
      %dma_wait3A_132 = tpu.memref_slice %arg6[%add3A_130, %dma_wait3A_131] : memref<16x128xi32, #tpu.memory_space<vmem>> -> memref<1x128xi32, #tpu.memory_space<vmem>>
      %dma_wait3A_133 = tpu.memref_squeeze %dma_wait3A_132 : memref<1x128xi32, #tpu.memory_space<vmem>> -> memref<128xi32, #tpu.memory_space<vmem>>
      %dma_wait3A_134 = arith.constant 0 : i32
      %dma_wait3A_135 = arith.constant 0 : i32
      %dma_wait3A_136 = tpu.memref_slice %arg2[%dma_wait3A_134, %dma_wait3A_135] : memref<10000x128xf32, #tpu.memory_space<hbm>> -> memref<10000x128xf32, #tpu.memory_space<hbm>>
      tpu.wait_indirect_dma semaphore(%arg12 : memref<!tpu.dma_semaphore, #tpu.memory_space<semaphore_mem>>) src(%dma_wait3A_136 : memref<10000x128xf32, #tpu.memory_space<hbm>>) dst(%arg9 : memref<128x128xf32, #tpu.memory_space<vmem>>)
      %add3A_137 = arith.constant 1 : i32
      %add3A_138 = arith.addi %mul3A_96, %add3A_137 : i32
      %add3A_139 = arith.constant 1 : i32
      %add3A_140 = arith.addi %add3A_138, %add3A_139 : i32
      %dma_start3A_141 = arith.constant 0 : i32
      %dma_start3A_142 = tpu.memref_slice %arg6[%add3A_140, %dma_start3A_141] : memref<16x128xi32, #tpu.memory_space<vmem>> -> memref<1x128xi32, #tpu.memory_space<vmem>>
      %dma_start3A_143 = tpu.memref_squeeze %dma_start3A_142 : memref<1x128xi32, #tpu.memory_space<vmem>> -> memref<128xi32, #tpu.memory_space<vmem>>
      %dma_start3A_144 = arith.constant 0 : i32
      %dma_start3A_145 = arith.constant 0 : i32
      %dma_start3A_146 = tpu.memref_slice %arg2[%dma_start3A_144, %dma_start3A_145] : memref<10000x128xf32, #tpu.memory_space<hbm>> -> memref<10000x128xf32, #tpu.memory_space<hbm>>
      tpu.enqueue_indirect_dma source(%dma_start3A_146 : memref<10000x128xf32, #tpu.memory_space<hbm>>) target(%arg8 : memref<128x128xf32, #tpu.memory_space<vmem>>) offsets(%dma_start3A_143 : memref<128xi32, #tpu.memory_space<vmem>>) semaphore(%arg11 : memref<!tpu.dma_semaphore, #tpu.memory_space<semaphore_mem>>)
      "tpu.region"() ({
        %run_scoped3A = tpu.sem_alloc : memref<!tpu.dma_semaphore, #tpu.memory_space<semaphore_mem>>
        %dma_start3A_252 = arith.constant 0 : i32
        %dma_start3A_253 = tpu.memref_slice %arg7[%add3A_130, %dma_start3A_252] : memref<16x128xi32, #tpu.memory_space<vmem>> -> memref<1x128xi32, #tpu.memory_space<vmem>>
        %dma_start3A_254 = tpu.memref_squeeze %dma_start3A_253 : memref<1x128xi32, #tpu.memory_space<vmem>> -> memref<128xi32, #tpu.memory_space<vmem>>
        %dma_start3A_255 = arith.constant 0 : i32
        %dma_start3A_256 = arith.constant 0 : i32
        %dma_start3A_257 = tpu.memref_slice %arg10[%dma_start3A_255, %dma_start3A_256] : memref<10112x128xf32, #tpu.memory_space<vmem_shared>> -> memref<10112x128xf32, #tpu.memory_space<vmem_shared>>
        tpu.enqueue_indirect_dma source(%arg9 : memref<128x128xf32, #tpu.memory_space<vmem>>) target(%dma_start3A_257 : memref<10112x128xf32, #tpu.memory_space<vmem_shared>>) offsets(%dma_start3A_254 : memref<128xi32, #tpu.memory_space<vmem>>) semaphore(%run_scoped3A : memref<!tpu.dma_semaphore, #tpu.memory_space<semaphore_mem>>) {add = true}
        %dma_wait3A_258 = arith.constant 0 : i32
        %dma_wait3A_259 = tpu.memref_slice %arg7[%add3A_130, %dma_wait3A_258] : memref<16x128xi32, #tpu.memory_space<vmem>> -> memref<1x128xi32, #tpu.memory_space<vmem>>
        %dma_wait3A_260 = tpu.memref_squeeze %dma_wait3A_259 : memref<1x128xi32, #tpu.memory_space<vmem>> -> memref<128xi32, #tpu.memory_space<vmem>>
        %dma_wait3A_261 = arith.constant 0 : i32
        %dma_wait3A_262 = arith.constant 0 : i32
        %dma_wait3A_263 = tpu.memref_slice %arg10[%dma_wait3A_261, %dma_wait3A_262] : memref<10112x128xf32, #tpu.memory_space<vmem_shared>> -> memref<10112x128xf32, #tpu.memory_space<vmem_shared>>
        tpu.wait_indirect_dma semaphore(%run_scoped3A : memref<!tpu.dma_semaphore, #tpu.memory_space<semaphore_mem>>) src(%arg9 : memref<128x128xf32, #tpu.memory_space<vmem>>) dst(%dma_wait3A_263 : memref<10112x128xf32, #tpu.memory_space<vmem_shared>>)
        tpu.yield
      }) : () -> ()
      %add3A_147 = arith.constant 2 : i32
      %add3A_148 = arith.addi %mul3A_96, %add3A_147 : i32
      %dma_wait3A_149 = arith.constant 0 : i32
      %dma_wait3A_150 = tpu.memref_slice %arg6[%add3A_148, %dma_wait3A_149] : memref<16x128xi32, #tpu.memory_space<vmem>> -> memref<1x128xi32, #tpu.memory_space<vmem>>
      %dma_wait3A_151 = tpu.memref_squeeze %dma_wait3A_150 : memref<1x128xi32, #tpu.memory_space<vmem>> -> memref<128xi32, #tpu.memory_space<vmem>>
      %dma_wait3A_152 = arith.constant 0 : i32
      %dma_wait3A_153 = arith.constant 0 : i32
      %dma_wait3A_154 = tpu.memref_slice %arg2[%dma_wait3A_152, %dma_wait3A_153] : memref<10000x128xf32, #tpu.memory_space<hbm>> -> memref<10000x128xf32, #tpu.memory_space<hbm>>
      tpu.wait_indirect_dma semaphore(%arg11 : memref<!tpu.dma_semaphore, #tpu.memory_space<semaphore_mem>>) src(%dma_wait3A_154 : memref<10000x128xf32, #tpu.memory_space<hbm>>) dst(%arg8 : memref<128x128xf32, #tpu.memory_space<vmem>>)
      %add3A_155 = arith.constant 2 : i32
      %add3A_156 = arith.addi %mul3A_96, %add3A_155 : i32
      %add3A_157 = arith.constant 1 : i32
      %add3A_158 = arith.addi %add3A_156, %add3A_157 : i32
      %dma_start3A_159 = arith.constant 0 : i32
      %dma_start3A_160 = tpu.memref_slice %arg6[%add3A_158, %dma_start3A_159] : memref<16x128xi32, #tpu.memory_space<vmem>> -> memref<1x128xi32, #tpu.memory_space<vmem>>
      %dma_start3A_161 = tpu.memref_squeeze %dma_start3A_160 : memref<1x128xi32, #tpu.memory_space<vmem>> -> memref<128xi32, #tpu.memory_space<vmem>>
      %dma_start3A_162 = arith.constant 0 : i32
      %dma_start3A_163 = arith.constant 0 : i32
      %dma_start3A_164 = tpu.memref_slice %arg2[%dma_start3A_162, %dma_start3A_163] : memref<10000x128xf32, #tpu.memory_space<hbm>> -> memref<10000x128xf32, #tpu.memory_space<hbm>>
      tpu.enqueue_indirect_dma source(%dma_start3A_164 : memref<10000x128xf32, #tpu.memory_space<hbm>>) target(%arg9 : memref<128x128xf32, #tpu.memory_space<vmem>>) offsets(%dma_start3A_161 : memref<128xi32, #tpu.memory_space<vmem>>) semaphore(%arg12 : memref<!tpu.dma_semaphore, #tpu.memory_space<semaphore_mem>>)
      "tpu.region"() ({
        %run_scoped3A = tpu.sem_alloc : memref<!tpu.dma_semaphore, #tpu.memory_space<semaphore_mem>>
        %dma_start3A_252 = arith.constant 0 : i32
        %dma_start3A_253 = tpu.memref_slice %arg7[%add3A_148, %dma_start3A_252] : memref<16x128xi32, #tpu.memory_space<vmem>> -> memref<1x128xi32, #tpu.memory_space<vmem>>
        %dma_start3A_254 = tpu.memref_squeeze %dma_start3A_253 : memref<1x128xi32, #tpu.memory_space<vmem>> -> memref<128xi32, #tpu.memory_space<vmem>>
        %dma_start3A_255 = arith.constant 0 : i32
        %dma_start3A_256 = arith.constant 0 : i32
        %dma_start3A_257 = tpu.memref_slice %arg10[%dma_start3A_255, %dma_start3A_256] : memref<10112x128xf32, #tpu.memory_space<vmem_shared>> -> memref<10112x128xf32, #tpu.memory_space<vmem_shared>>
        tpu.enqueue_indirect_dma source(%arg8 : memref<128x128xf32, #tpu.memory_space<vmem>>) target(%dma_start3A_257 : memref<10112x128xf32, #tpu.memory_space<vmem_shared>>) offsets(%dma_start3A_254 : memref<128xi32, #tpu.memory_space<vmem>>) semaphore(%run_scoped3A : memref<!tpu.dma_semaphore, #tpu.memory_space<semaphore_mem>>) {add = true}
        %dma_wait3A_258 = arith.constant 0 : i32
        %dma_wait3A_259 = tpu.memref_slice %arg7[%add3A_148, %dma_wait3A_258] : memref<16x128xi32, #tpu.memory_space<vmem>> -> memref<1x128xi32, #tpu.memory_space<vmem>>
        %dma_wait3A_260 = tpu.memref_squeeze %dma_wait3A_259 : memref<1x128xi32, #tpu.memory_space<vmem>> -> memref<128xi32, #tpu.memory_space<vmem>>
        %dma_wait3A_261 = arith.constant 0 : i32
        %dma_wait3A_262 = arith.constant 0 : i32
        %dma_wait3A_263 = tpu.memref_slice %arg10[%dma_wait3A_261, %dma_wait3A_262] : memref<10112x128xf32, #tpu.memory_space<vmem_shared>> -> memref<10112x128xf32, #tpu.memory_space<vmem_shared>>
        tpu.wait_indirect_dma semaphore(%run_scoped3A : memref<!tpu.dma_semaphore, #tpu.memory_space<semaphore_mem>>) src(%arg8 : memref<128x128xf32, #tpu.memory_space<vmem>>) dst(%dma_wait3A_263 : memref<10112x128xf32, #tpu.memory_space<vmem_shared>>)
        tpu.yield
      }) : () -> ()
      %add3A_165 = arith.constant 3 : i32
      %add3A_166 = arith.addi %mul3A_96, %add3A_165 : i32
      %dma_wait3A_167 = arith.constant 0 : i32
      %dma_wait3A_168 = tpu.memref_slice %arg6[%add3A_166, %dma_wait3A_167] : memref<16x128xi32, #tpu.memory_space<vmem>> -> memref<1x128xi32, #tpu.memory_space<vmem>>
      %dma_wait3A_169 = tpu.memref_squeeze %dma_wait3A_168 : memref<1x128xi32, #tpu.memory_space<vmem>> -> memref<128xi32, #tpu.memory_space<vmem>>
      %dma_wait3A_170 = arith.constant 0 : i32
      %dma_wait3A_171 = arith.constant 0 : i32
      %dma_wait3A_172 = tpu.memref_slice %arg2[%dma_wait3A_170, %dma_wait3A_171] : memref<10000x128xf32, #tpu.memory_space<hbm>> -> memref<10000x128xf32, #tpu.memory_space<hbm>>
      tpu.wait_indirect_dma semaphore(%arg12 : memref<!tpu.dma_semaphore, #tpu.memory_space<semaphore_mem>>) src(%dma_wait3A_172 : memref<10000x128xf32, #tpu.memory_space<hbm>>) dst(%arg9 : memref<128x128xf32, #tpu.memory_space<vmem>>)
      %add3A_173 = arith.constant 3 : i32
      %add3A_174 = arith.addi %mul3A_96, %add3A_173 : i32
      %add3A_175 = arith.constant 1 : i32
      %add3A_176 = arith.addi %add3A_174, %add3A_175 : i32
      %dma_start3A_177 = arith.constant 0 : i32
      %dma_start3A_178 = tpu.memref_slice %arg6[%add3A_176, %dma_start3A_177] : memref<16x128xi32, #tpu.memory_space<vmem>> -> memref<1x128xi32, #tpu.memory_space<vmem>>
      %dma_start3A_179 = tpu.memref_squeeze %dma_start3A_178 : memref<1x128xi32, #tpu.memory_space<vmem>> -> memref<128xi32, #tpu.memory_space<vmem>>
      %dma_start3A_180 = arith.constant 0 : i32
      %dma_start3A_181 = arith.constant 0 : i32
      %dma_start3A_182 = tpu.memref_slice %arg2[%dma_start3A_180, %dma_start3A_181] : memref<10000x128xf32, #tpu.memory_space<hbm>> -> memref<10000x128xf32, #tpu.memory_space<hbm>>
      tpu.enqueue_indirect_dma source(%dma_start3A_182 : memref<10000x128xf32, #tpu.memory_space<hbm>>) target(%arg8 : memref<128x128xf32, #tpu.memory_space<vmem>>) offsets(%dma_start3A_179 : memref<128xi32, #tpu.memory_space<vmem>>) semaphore(%arg11 : memref<!tpu.dma_semaphore, #tpu.memory_space<semaphore_mem>>)
      "tpu.region"() ({
        %run_scoped3A = tpu.sem_alloc : memref<!tpu.dma_semaphore, #tpu.memory_space<semaphore_mem>>
        %dma_start3A_252 = arith.constant 0 : i32
        %dma_start3A_253 = tpu.memref_slice %arg7[%add3A_166, %dma_start3A_252] : memref<16x128xi32, #tpu.memory_space<vmem>> -> memref<1x128xi32, #tpu.memory_space<vmem>>
        %dma_start3A_254 = tpu.memref_squeeze %dma_start3A_253 : memref<1x128xi32, #tpu.memory_space<vmem>> -> memref<128xi32, #tpu.memory_space<vmem>>
        %dma_start3A_255 = arith.constant 0 : i32
        %dma_start3A_256 = arith.constant 0 : i32
        %dma_start3A_257 = tpu.memref_slice %arg10[%dma_start3A_255, %dma_start3A_256] : memref<10112x128xf32, #tpu.memory_space<vmem_shared>> -> memref<10112x128xf32, #tpu.memory_space<vmem_shared>>
        tpu.enqueue_indirect_dma source(%arg9 : memref<128x128xf32, #tpu.memory_space<vmem>>) target(%dma_start3A_257 : memref<10112x128xf32, #tpu.memory_space<vmem_shared>>) offsets(%dma_start3A_254 : memref<128xi32, #tpu.memory_space<vmem>>) semaphore(%run_scoped3A : memref<!tpu.dma_semaphore, #tpu.memory_space<semaphore_mem>>) {add = true}
        %dma_wait3A_258 = arith.constant 0 : i32
        %dma_wait3A_259 = tpu.memref_slice %arg7[%add3A_166, %dma_wait3A_258] : memref<16x128xi32, #tpu.memory_space<vmem>> -> memref<1x128xi32, #tpu.memory_space<vmem>>
        %dma_wait3A_260 = tpu.memref_squeeze %dma_wait3A_259 : memref<1x128xi32, #tpu.memory_space<vmem>> -> memref<128xi32, #tpu.memory_space<vmem>>
        %dma_wait3A_261 = arith.constant 0 : i32
        %dma_wait3A_262 = arith.constant 0 : i32
        %dma_wait3A_263 = tpu.memref_slice %arg10[%dma_wait3A_261, %dma_wait3A_262] : memref<10112x128xf32, #tpu.memory_space<vmem_shared>> -> memref<10112x128xf32, #tpu.memory_space<vmem_shared>>
        tpu.wait_indirect_dma semaphore(%run_scoped3A : memref<!tpu.dma_semaphore, #tpu.memory_space<semaphore_mem>>) src(%arg9 : memref<128x128xf32, #tpu.memory_space<vmem>>) dst(%dma_wait3A_263 : memref<10112x128xf32, #tpu.memory_space<vmem_shared>>)
        tpu.yield
      }) : () -> ()
      %add3A_183 = arith.constant 4 : i32
      %add3A_184 = arith.addi %mul3A_96, %add3A_183 : i32
      %dma_wait3A_185 = arith.constant 0 : i32
      %dma_wait3A_186 = tpu.memref_slice %arg6[%add3A_184, %dma_wait3A_185] : memref<16x128xi32, #tpu.memory_space<vmem>> -> memref<1x128xi32, #tpu.memory_space<vmem>>
      %dma_wait3A_187 = tpu.memref_squeeze %dma_wait3A_186 : memref<1x128xi32, #tpu.memory_space<vmem>> -> memref<128xi32, #tpu.memory_space<vmem>>
      %dma_wait3A_188 = arith.constant 0 : i32
      %dma_wait3A_189 = arith.constant 0 : i32
      %dma_wait3A_190 = tpu.memref_slice %arg2[%dma_wait3A_188, %dma_wait3A_189] : memref<10000x128xf32, #tpu.memory_space<hbm>> -> memref<10000x128xf32, #tpu.memory_space<hbm>>
      tpu.wait_indirect_dma semaphore(%arg11 : memref<!tpu.dma_semaphore, #tpu.memory_space<semaphore_mem>>) src(%dma_wait3A_190 : memref<10000x128xf32, #tpu.memory_space<hbm>>) dst(%arg8 : memref<128x128xf32, #tpu.memory_space<vmem>>)
      %add3A_191 = arith.constant 4 : i32
      %add3A_192 = arith.addi %mul3A_96, %add3A_191 : i32
      %add3A_193 = arith.constant 1 : i32
      %add3A_194 = arith.addi %add3A_192, %add3A_193 : i32
      %dma_start3A_195 = arith.constant 0 : i32
      %dma_start3A_196 = tpu.memref_slice %arg6[%add3A_194, %dma_start3A_195] : memref<16x128xi32, #tpu.memory_space<vmem>> -> memref<1x128xi32, #tpu.memory_space<vmem>>
      %dma_start3A_197 = tpu.memref_squeeze %dma_start3A_196 : memref<1x128xi32, #tpu.memory_space<vmem>> -> memref<128xi32, #tpu.memory_space<vmem>>
      %dma_start3A_198 = arith.constant 0 : i32
      %dma_start3A_199 = arith.constant 0 : i32
      %dma_start3A_200 = tpu.memref_slice %arg2[%dma_start3A_198, %dma_start3A_199] : memref<10000x128xf32, #tpu.memory_space<hbm>> -> memref<10000x128xf32, #tpu.memory_space<hbm>>
      tpu.enqueue_indirect_dma source(%dma_start3A_200 : memref<10000x128xf32, #tpu.memory_space<hbm>>) target(%arg9 : memref<128x128xf32, #tpu.memory_space<vmem>>) offsets(%dma_start3A_197 : memref<128xi32, #tpu.memory_space<vmem>>) semaphore(%arg12 : memref<!tpu.dma_semaphore, #tpu.memory_space<semaphore_mem>>)
      "tpu.region"() ({
        %run_scoped3A = tpu.sem_alloc : memref<!tpu.dma_semaphore, #tpu.memory_space<semaphore_mem>>
        %dma_start3A_252 = arith.constant 0 : i32
        %dma_start3A_253 = tpu.memref_slice %arg7[%add3A_184, %dma_start3A_252] : memref<16x128xi32, #tpu.memory_space<vmem>> -> memref<1x128xi32, #tpu.memory_space<vmem>>
        %dma_start3A_254 = tpu.memref_squeeze %dma_start3A_253 : memref<1x128xi32, #tpu.memory_space<vmem>> -> memref<128xi32, #tpu.memory_space<vmem>>
        %dma_start3A_255 = arith.constant 0 : i32
        %dma_start3A_256 = arith.constant 0 : i32
        %dma_start3A_257 = tpu.memref_slice %arg10[%dma_start3A_255, %dma_start3A_256] : memref<10112x128xf32, #tpu.memory_space<vmem_shared>> -> memref<10112x128xf32, #tpu.memory_space<vmem_shared>>
        tpu.enqueue_indirect_dma source(%arg8 : memref<128x128xf32, #tpu.memory_space<vmem>>) target(%dma_start3A_257 : memref<10112x128xf32, #tpu.memory_space<vmem_shared>>) offsets(%dma_start3A_254 : memref<128xi32, #tpu.memory_space<vmem>>) semaphore(%run_scoped3A : memref<!tpu.dma_semaphore, #tpu.memory_space<semaphore_mem>>) {add = true}
        %dma_wait3A_258 = arith.constant 0 : i32
        %dma_wait3A_259 = tpu.memref_slice %arg7[%add3A_184, %dma_wait3A_258] : memref<16x128xi32, #tpu.memory_space<vmem>> -> memref<1x128xi32, #tpu.memory_space<vmem>>
        %dma_wait3A_260 = tpu.memref_squeeze %dma_wait3A_259 : memref<1x128xi32, #tpu.memory_space<vmem>> -> memref<128xi32, #tpu.memory_space<vmem>>
        %dma_wait3A_261 = arith.constant 0 : i32
        %dma_wait3A_262 = arith.constant 0 : i32
        %dma_wait3A_263 = tpu.memref_slice %arg10[%dma_wait3A_261, %dma_wait3A_262] : memref<10112x128xf32, #tpu.memory_space<vmem_shared>> -> memref<10112x128xf32, #tpu.memory_space<vmem_shared>>
        tpu.wait_indirect_dma semaphore(%run_scoped3A : memref<!tpu.dma_semaphore, #tpu.memory_space<semaphore_mem>>) src(%arg8 : memref<128x128xf32, #tpu.memory_space<vmem>>) dst(%dma_wait3A_263 : memref<10112x128xf32, #tpu.memory_space<vmem_shared>>)
        tpu.yield
      }) : () -> ()
      %add3A_201 = arith.constant 5 : i32
      %add3A_202 = arith.addi %mul3A_96, %add3A_201 : i32
      %dma_wait3A_203 = arith.constant 0 : i32
      %dma_wait3A_204 = tpu.memref_slice %arg6[%add3A_202, %dma_wait3A_203] : memref<16x128xi32, #tpu.memory_space<vmem>> -> memref<1x128xi32, #tpu.memory_space<vmem>>
      %dma_wait3A_205 = tpu.memref_squeeze %dma_wait3A_204 : memref<1x128xi32, #tpu.memory_space<vmem>> -> memref<128xi32, #tpu.memory_space<vmem>>
      %dma_wait3A_206 = arith.constant 0 : i32
      %dma_wait3A_207 = arith.constant 0 : i32
      %dma_wait3A_208 = tpu.memref_slice %arg2[%dma_wait3A_206, %dma_wait3A_207] : memref<10000x128xf32, #tpu.memory_space<hbm>> -> memref<10000x128xf32, #tpu.memory_space<hbm>>
      tpu.wait_indirect_dma semaphore(%arg12 : memref<!tpu.dma_semaphore, #tpu.memory_space<semaphore_mem>>) src(%dma_wait3A_208 : memref<10000x128xf32, #tpu.memory_space<hbm>>) dst(%arg9 : memref<128x128xf32, #tpu.memory_space<vmem>>)
      %add3A_209 = arith.constant 5 : i32
      %add3A_210 = arith.addi %mul3A_96, %add3A_209 : i32
      %add3A_211 = arith.constant 1 : i32
      %add3A_212 = arith.addi %add3A_210, %add3A_211 : i32
      %dma_start3A_213 = arith.constant 0 : i32
      %dma_start3A_214 = tpu.memref_slice %arg6[%add3A_212, %dma_start3A_213] : memref<16x128xi32, #tpu.memory_space<vmem>> -> memref<1x128xi32, #tpu.memory_space<vmem>>
      %dma_start3A_215 = tpu.memref_squeeze %dma_start3A_214 : memref<1x128xi32, #tpu.memory_space<vmem>> -> memref<128xi32, #tpu.memory_space<vmem>>
      %dma_start3A_216 = arith.constant 0 : i32
      %dma_start3A_217 = arith.constant 0 : i32
      %dma_start3A_218 = tpu.memref_slice %arg2[%dma_start3A_216, %dma_start3A_217] : memref<10000x128xf32, #tpu.memory_space<hbm>> -> memref<10000x128xf32, #tpu.memory_space<hbm>>
      tpu.enqueue_indirect_dma source(%dma_start3A_218 : memref<10000x128xf32, #tpu.memory_space<hbm>>) target(%arg8 : memref<128x128xf32, #tpu.memory_space<vmem>>) offsets(%dma_start3A_215 : memref<128xi32, #tpu.memory_space<vmem>>) semaphore(%arg11 : memref<!tpu.dma_semaphore, #tpu.memory_space<semaphore_mem>>)
      "tpu.region"() ({
        %run_scoped3A = tpu.sem_alloc : memref<!tpu.dma_semaphore, #tpu.memory_space<semaphore_mem>>
        %dma_start3A_252 = arith.constant 0 : i32
        %dma_start3A_253 = tpu.memref_slice %arg7[%add3A_202, %dma_start3A_252] : memref<16x128xi32, #tpu.memory_space<vmem>> -> memref<1x128xi32, #tpu.memory_space<vmem>>
        %dma_start3A_254 = tpu.memref_squeeze %dma_start3A_253 : memref<1x128xi32, #tpu.memory_space<vmem>> -> memref<128xi32, #tpu.memory_space<vmem>>
        %dma_start3A_255 = arith.constant 0 : i32
        %dma_start3A_256 = arith.constant 0 : i32
        %dma_start3A_257 = tpu.memref_slice %arg10[%dma_start3A_255, %dma_start3A_256] : memref<10112x128xf32, #tpu.memory_space<vmem_shared>> -> memref<10112x128xf32, #tpu.memory_space<vmem_shared>>
        tpu.enqueue_indirect_dma source(%arg9 : memref<128x128xf32, #tpu.memory_space<vmem>>) target(%dma_start3A_257 : memref<10112x128xf32, #tpu.memory_space<vmem_shared>>) offsets(%dma_start3A_254 : memref<128xi32, #tpu.memory_space<vmem>>) semaphore(%run_scoped3A : memref<!tpu.dma_semaphore, #tpu.memory_space<semaphore_mem>>) {add = true}
        %dma_wait3A_258 = arith.constant 0 : i32
        %dma_wait3A_259 = tpu.memref_slice %arg7[%add3A_202, %dma_wait3A_258] : memref<16x128xi32, #tpu.memory_space<vmem>> -> memref<1x128xi32, #tpu.memory_space<vmem>>
        %dma_wait3A_260 = tpu.memref_squeeze %dma_wait3A_259 : memref<1x128xi32, #tpu.memory_space<vmem>> -> memref<128xi32, #tpu.memory_space<vmem>>
        %dma_wait3A_261 = arith.constant 0 : i32
        %dma_wait3A_262 = arith.constant 0 : i32
        %dma_wait3A_263 = tpu.memref_slice %arg10[%dma_wait3A_261, %dma_wait3A_262] : memref<10112x128xf32, #tpu.memory_space<vmem_shared>> -> memref<10112x128xf32, #tpu.memory_space<vmem_shared>>
        tpu.wait_indirect_dma semaphore(%run_scoped3A : memref<!tpu.dma_semaphore, #tpu.memory_space<semaphore_mem>>) src(%arg9 : memref<128x128xf32, #tpu.memory_space<vmem>>) dst(%dma_wait3A_263 : memref<10112x128xf32, #tpu.memory_space<vmem_shared>>)
        tpu.yield
      }) : () -> ()
      %add3A_219 = arith.constant 6 : i32
      %add3A_220 = arith.addi %mul3A_96, %add3A_219 : i32
      %dma_wait3A_221 = arith.constant 0 : i32
      %dma_wait3A_222 = tpu.memref_slice %arg6[%add3A_220, %dma_wait3A_221] : memref<16x128xi32, #tpu.memory_space<vmem>> -> memref<1x128xi32, #tpu.memory_space<vmem>>
      %dma_wait3A_223 = tpu.memref_squeeze %dma_wait3A_222 : memref<1x128xi32, #tpu.memory_space<vmem>> -> memref<128xi32, #tpu.memory_space<vmem>>
      %dma_wait3A_224 = arith.constant 0 : i32
      %dma_wait3A_225 = arith.constant 0 : i32
      %dma_wait3A_226 = tpu.memref_slice %arg2[%dma_wait3A_224, %dma_wait3A_225] : memref<10000x128xf32, #tpu.memory_space<hbm>> -> memref<10000x128xf32, #tpu.memory_space<hbm>>
      tpu.wait_indirect_dma semaphore(%arg11 : memref<!tpu.dma_semaphore, #tpu.memory_space<semaphore_mem>>) src(%dma_wait3A_226 : memref<10000x128xf32, #tpu.memory_space<hbm>>) dst(%arg8 : memref<128x128xf32, #tpu.memory_space<vmem>>)
      %add3A_227 = arith.constant 6 : i32
      %add3A_228 = arith.addi %mul3A_96, %add3A_227 : i32
      %add3A_229 = arith.constant 1 : i32
      %add3A_230 = arith.addi %add3A_228, %add3A_229 : i32
      %dma_start3A_231 = arith.constant 0 : i32
      %dma_start3A_232 = tpu.memref_slice %arg6[%add3A_230, %dma_start3A_231] : memref<16x128xi32, #tpu.memory_space<vmem>> -> memref<1x128xi32, #tpu.memory_space<vmem>>
      %dma_start3A_233 = tpu.memref_squeeze %dma_start3A_232 : memref<1x128xi32, #tpu.memory_space<vmem>> -> memref<128xi32, #tpu.memory_space<vmem>>
      %dma_start3A_234 = arith.constant 0 : i32
      %dma_start3A_235 = arith.constant 0 : i32
      %dma_start3A_236 = tpu.memref_slice %arg2[%dma_start3A_234, %dma_start3A_235] : memref<10000x128xf32, #tpu.memory_space<hbm>> -> memref<10000x128xf32, #tpu.memory_space<hbm>>
      tpu.enqueue_indirect_dma source(%dma_start3A_236 : memref<10000x128xf32, #tpu.memory_space<hbm>>) target(%arg9 : memref<128x128xf32, #tpu.memory_space<vmem>>) offsets(%dma_start3A_233 : memref<128xi32, #tpu.memory_space<vmem>>) semaphore(%arg12 : memref<!tpu.dma_semaphore, #tpu.memory_space<semaphore_mem>>)
      "tpu.region"() ({
        %run_scoped3A = tpu.sem_alloc : memref<!tpu.dma_semaphore, #tpu.memory_space<semaphore_mem>>
        %dma_start3A_252 = arith.constant 0 : i32
        %dma_start3A_253 = tpu.memref_slice %arg7[%add3A_220, %dma_start3A_252] : memref<16x128xi32, #tpu.memory_space<vmem>> -> memref<1x128xi32, #tpu.memory_space<vmem>>
        %dma_start3A_254 = tpu.memref_squeeze %dma_start3A_253 : memref<1x128xi32, #tpu.memory_space<vmem>> -> memref<128xi32, #tpu.memory_space<vmem>>
        %dma_start3A_255 = arith.constant 0 : i32
        %dma_start3A_256 = arith.constant 0 : i32
        %dma_start3A_257 = tpu.memref_slice %arg10[%dma_start3A_255, %dma_start3A_256] : memref<10112x128xf32, #tpu.memory_space<vmem_shared>> -> memref<10112x128xf32, #tpu.memory_space<vmem_shared>>
        tpu.enqueue_indirect_dma source(%arg8 : memref<128x128xf32, #tpu.memory_space<vmem>>) target(%dma_start3A_257 : memref<10112x128xf32, #tpu.memory_space<vmem_shared>>) offsets(%dma_start3A_254 : memref<128xi32, #tpu.memory_space<vmem>>) semaphore(%run_scoped3A : memref<!tpu.dma_semaphore, #tpu.memory_space<semaphore_mem>>) {add = true}
        %dma_wait3A_258 = arith.constant 0 : i32
        %dma_wait3A_259 = tpu.memref_slice %arg7[%add3A_220, %dma_wait3A_258] : memref<16x128xi32, #tpu.memory_space<vmem>> -> memref<1x128xi32, #tpu.memory_space<vmem>>
        %dma_wait3A_260 = tpu.memref_squeeze %dma_wait3A_259 : memref<1x128xi32, #tpu.memory_space<vmem>> -> memref<128xi32, #tpu.memory_space<vmem>>
        %dma_wait3A_261 = arith.constant 0 : i32
        %dma_wait3A_262 = arith.constant 0 : i32
        %dma_wait3A_263 = tpu.memref_slice %arg10[%dma_wait3A_261, %dma_wait3A_262] : memref<10112x128xf32, #tpu.memory_space<vmem_shared>> -> memref<10112x128xf32, #tpu.memory_space<vmem_shared>>
        tpu.wait_indirect_dma semaphore(%run_scoped3A : memref<!tpu.dma_semaphore, #tpu.memory_space<semaphore_mem>>) src(%arg8 : memref<128x128xf32, #tpu.memory_space<vmem>>) dst(%dma_wait3A_263 : memref<10112x128xf32, #tpu.memory_space<vmem_shared>>)
        tpu.yield
      }) : () -> ()
      %add3A_237 = arith.constant 7 : i32
      %add3A_238 = arith.addi %mul3A_96, %add3A_237 : i32
      %dma_wait3A_239 = arith.constant 0 : i32
      %dma_wait3A_240 = tpu.memref_slice %arg6[%add3A_238, %dma_wait3A_239] : memref<16x128xi32, #tpu.memory_space<vmem>> -> memref<1x128xi32, #tpu.memory_space<vmem>>
      %dma_wait3A_241 = tpu.memref_squeeze %dma_wait3A_240 : memref<1x128xi32, #tpu.memory_space<vmem>> -> memref<128xi32, #tpu.memory_space<vmem>>
      %dma_wait3A_242 = arith.constant 0 : i32
      %dma_wait3A_243 = arith.constant 0 : i32
      %dma_wait3A_244 = tpu.memref_slice %arg2[%dma_wait3A_242, %dma_wait3A_243] : memref<10000x128xf32, #tpu.memory_space<hbm>> -> memref<10000x128xf32, #tpu.memory_space<hbm>>
      tpu.wait_indirect_dma semaphore(%arg12 : memref<!tpu.dma_semaphore, #tpu.memory_space<semaphore_mem>>) src(%dma_wait3A_244 : memref<10000x128xf32, #tpu.memory_space<hbm>>) dst(%arg9 : memref<128x128xf32, #tpu.memory_space<vmem>>)
      %add3A_245 = arith.constant 1 : i32
      %add3A_246 = arith.addi %scan3A_93, %add3A_245 : i32
      %lt3A_247 = arith.constant 10 : i32
      %lt3A_248 = arith.cmpi slt, %add3A_246, %lt3A_247 : i32
      %convert_element_type3A_249 = arith.extui %lt3A_248 : i1 to i32
      %cond3A_250 = arith.constant 0 : i32
      %cond3A_251 = arith.cmpi ne, %convert_element_type3A_249, %cond3A_250 : i32
      scf.if %cond3A_251 {
        %dma_wait3A_252 = arith.constant 0 : i32
        %dma_wait3A_253 = tpu.memref_slice %arg6[%mul3A_102, %dma_wait3A_252] : memref<16x128xi32, #tpu.memory_space<vmem>> -> memref<8x128xi32, #tpu.memory_space<vmem>>
        %dma_wait3A_254 = arith.constant 0 : i32
        %dma_wait3A_255 = tpu.memref_slice %arg3[%add3A, %mul3A_106, %dma_wait3A_254] : memref<32x80x128xi32, #tpu.memory_space<hbm>> -> memref<1x8x128xi32, #tpu.memory_space<hbm>>
        %dma_wait3A_256 = tpu.memref_squeeze %dma_wait3A_255 : memref<1x8x128xi32, #tpu.memory_space<hbm>> -> memref<8x128xi32, #tpu.memory_space<hbm>>
        %dma_wait3A_257 = arith.constant 0 : i32
        %dma_wait3A_258 = tpu.memref_slice %arg6[%mul3A_102, %dma_wait3A_257] : memref<16x128xi32, #tpu.memory_space<vmem>> -> memref<8x128xi32, #tpu.memory_space<vmem>>
        %dma_wait3A_259 = arith.constant 0 : i32
        %dma_wait3A_260 = tpu.memref_slice %arg3[%add3A, %mul3A_106, %dma_wait3A_259] : memref<32x80x128xi32, #tpu.memory_space<hbm>> -> memref<1x8x128xi32, #tpu.memory_space<hbm>>
        %dma_wait3A_261 = tpu.memref_squeeze %dma_wait3A_260 : memref<1x8x128xi32, #tpu.memory_space<hbm>> -> memref<8x128xi32, #tpu.memory_space<hbm>>
        tpu.wait_dma2 semaphore(%arg13 : memref<!tpu.dma_semaphore, #tpu.memory_space<semaphore_mem>>) src(%dma_wait3A_261 : memref<8x128xi32, #tpu.memory_space<hbm>>) dst(%dma_wait3A_258 : memref<8x128xi32, #tpu.memory_space<vmem>>)
        %dma_wait3A_262 = arith.constant 0 : i32
        %dma_wait3A_263 = tpu.memref_slice %arg7[%mul3A_102, %dma_wait3A_262] : memref<16x128xi32, #tpu.memory_space<vmem>> -> memref<8x128xi32, #tpu.memory_space<vmem>>
        %dma_wait3A_264 = arith.constant 0 : i32
        %dma_wait3A_265 = tpu.memref_slice %arg4[%add3A, %mul3A_106, %dma_wait3A_264] : memref<32x80x128xi32, #tpu.memory_space<hbm>> -> memref<1x8x128xi32, #tpu.memory_space<hbm>>
        %dma_wait3A_266 = tpu.memref_squeeze %dma_wait3A_265 : memref<1x8x128xi32, #tpu.memory_space<hbm>> -> memref<8x128xi32, #tpu.memory_space<hbm>>
        %dma_wait3A_267 = arith.constant 0 : i32
        %dma_wait3A_268 = tpu.memref_slice %arg7[%mul3A_102, %dma_wait3A_267] : memref<16x128xi32, #tpu.memory_space<vmem>> -> memref<8x128xi32, #tpu.memory_space<vmem>>
        %dma_wait3A_269 = arith.constant 0 : i32
        %dma_wait3A_270 = tpu.memref_slice %arg4[%add3A, %mul3A_106, %dma_wait3A_269] : memref<32x80x128xi32, #tpu.memory_space<hbm>> -> memref<1x8x128xi32, #tpu.memory_space<hbm>>
        %dma_wait3A_271 = tpu.memref_squeeze %dma_wait3A_270 : memref<1x8x128xi32, #tpu.memory_space<hbm>> -> memref<8x128xi32, #tpu.memory_space<hbm>>
        tpu.wait_dma2 semaphore(%arg13 : memref<!tpu.dma_semaphore, #tpu.memory_space<semaphore_mem>>) src(%dma_wait3A_271 : memref<8x128xi32, #tpu.memory_space<hbm>>) dst(%dma_wait3A_268 : memref<8x128xi32, #tpu.memory_space<vmem>>)
        %dma_start3A_272 = arith.constant 0 : i32
        %dma_start3A_273 = tpu.memref_slice %arg6[%mul3A_102, %dma_start3A_272] : memref<16x128xi32, #tpu.memory_space<vmem>> -> memref<1x128xi32, #tpu.memory_space<vmem>>
        %dma_start3A_274 = tpu.memref_squeeze %dma_start3A_273 : memref<1x128xi32, #tpu.memory_space<vmem>> -> memref<128xi32, #tpu.memory_space<vmem>>
        %dma_start3A_275 = arith.constant 0 : i32
        %dma_start3A_276 = arith.constant 0 : i32
        %dma_start3A_277 = tpu.memref_slice %arg2[%dma_start3A_275, %dma_start3A_276] : memref<10000x128xf32, #tpu.memory_space<hbm>> -> memref<10000x128xf32, #tpu.memory_space<hbm>>
        tpu.enqueue_indirect_dma source(%dma_start3A_277 : memref<10000x128xf32, #tpu.memory_space<hbm>>) target(%arg8 : memref<128x128xf32, #tpu.memory_space<vmem>>) offsets(%dma_start3A_274 : memref<128xi32, #tpu.memory_space<vmem>>) semaphore(%arg11 : memref<!tpu.dma_semaphore, #tpu.memory_space<semaphore_mem>>)
      } else {
      }
      "tpu.region"() ({
        %run_scoped3A = tpu.sem_alloc : memref<!tpu.dma_semaphore, #tpu.memory_space<semaphore_mem>>
        %dma_start3A_252 = arith.constant 0 : i32
        %dma_start3A_253 = tpu.memref_slice %arg7[%add3A_238, %dma_start3A_252] : memref<16x128xi32, #tpu.memory_space<vmem>> -> memref<1x128xi32, #tpu.memory_space<vmem>>
        %dma_start3A_254 = tpu.memref_squeeze %dma_start3A_253 : memref<1x128xi32, #tpu.memory_space<vmem>> -> memref<128xi32, #tpu.memory_space<vmem>>
        %dma_start3A_255 = arith.constant 0 : i32
        %dma_start3A_256 = arith.constant 0 : i32
        %dma_start3A_257 = tpu.memref_slice %arg10[%dma_start3A_255, %dma_start3A_256] : memref<10112x128xf32, #tpu.memory_space<vmem_shared>> -> memref<10112x128xf32, #tpu.memory_space<vmem_shared>>
        tpu.enqueue_indirect_dma source(%arg9 : memref<128x128xf32, #tpu.memory_space<vmem>>) target(%dma_start3A_257 : memref<10112x128xf32, #tpu.memory_space<vmem_shared>>) offsets(%dma_start3A_254 : memref<128xi32, #tpu.memory_space<vmem>>) semaphore(%run_scoped3A : memref<!tpu.dma_semaphore, #tpu.memory_space<semaphore_mem>>) {add = true}
        %dma_wait3A_258 = arith.constant 0 : i32
        %dma_wait3A_259 = tpu.memref_slice %arg7[%add3A_238, %dma_wait3A_258] : memref<16x128xi32, #tpu.memory_space<vmem>> -> memref<1x128xi32, #tpu.memory_space<vmem>>
        %dma_wait3A_260 = tpu.memref_squeeze %dma_wait3A_259 : memref<1x128xi32, #tpu.memory_space<vmem>> -> memref<128xi32, #tpu.memory_space<vmem>>
        %dma_wait3A_261 = arith.constant 0 : i32
        %dma_wait3A_262 = arith.constant 0 : i32
        %dma_wait3A_263 = tpu.memref_slice %arg10[%dma_wait3A_261, %dma_wait3A_262] : memref<10112x128xf32, #tpu.memory_space<vmem_shared>> -> memref<10112x128xf32, #tpu.memory_space<vmem_shared>>
        tpu.wait_indirect_dma semaphore(%run_scoped3A : memref<!tpu.dma_semaphore, #tpu.memory_space<semaphore_mem>>) src(%arg9 : memref<128x128xf32, #tpu.memory_space<vmem>>) dst(%dma_wait3A_263 : memref<10112x128xf32, #tpu.memory_space<vmem_shared>>)
        tpu.yield
      }) : () -> ()
    }
    %scan3A_91 = arith.constant 10 : i32
    %barrier3A_92 = arith.constant 0 : index
    tpu.barrier barrier_id(%barrier3A_92)
    "tpu.region"() ({
      %run_scoped3A = tpu.sem_alloc : memref<!tpu.dma_semaphore, #tpu.memory_space<semaphore_mem>>
      %dma_start3A_93 = arith.constant 0 : i32
      %dma_start3A_94 = tpu.memref_slice %arg5[%arg0, %mul3A_2, %dma_start3A_93] : memref<2x10112x128xf32, #tpu.memory_space<hbm>> -> memref<1x632x128xf32, #tpu.memory_space<hbm>>
      %dma_start3A_95 = tpu.memref_squeeze %dma_start3A_94 : memref<1x632x128xf32, #tpu.memory_space<hbm>> -> memref<632x128xf32, #tpu.memory_space<hbm>>
      %dma_start3A_96 = arith.constant 0 : i32
      %dma_start3A_97 = tpu.memref_slice %arg10[%mul3A_2, %dma_start3A_96] : memref<10112x128xf32, #tpu.memory_space<vmem_shared>> -> memref<632x128xf32, #tpu.memory_space<vmem_shared>>
      tpu.enqueue_dma source(%dma_start3A_97 : memref<632x128xf32, #tpu.memory_space<vmem_shared>>) target(%dma_start3A_95 : memref<632x128xf32, #tpu.memory_space<hbm>>) target_semaphore(%run_scoped3A : memref<!tpu.dma_semaphore, #tpu.memory_space<semaphore_mem>>)
      %dma_wait3A_98 = arith.constant 0 : i32
      %dma_wait3A_99 = tpu.memref_slice %arg5[%arg0, %mul3A_2, %dma_wait3A_98] : memref<2x10112x128xf32, #tpu.memory_space<hbm>> -> memref<1x632x128xf32, #tpu.memory_space<hbm>>
      %dma_wait3A_100 = tpu.memref_squeeze %dma_wait3A_99 : memref<1x632x128xf32, #tpu.memory_space<hbm>> -> memref<632x128xf32, #tpu.memory_space<hbm>>
      %dma_wait3A_101 = arith.constant 0 : i32
      %dma_wait3A_102 = tpu.memref_slice %arg10[%mul3A_2, %dma_wait3A_101] : memref<10112x128xf32, #tpu.memory_space<vmem_shared>> -> memref<632x128xf32, #tpu.memory_space<vmem_shared>>
      tpu.wait_dma2 semaphore(%run_scoped3A : memref<!tpu.dma_semaphore, #tpu.memory_space<semaphore_mem>>) src(%dma_wait3A_102 : memref<632x128xf32, #tpu.memory_space<vmem_shared>>) dst(%dma_wait3A_100 : memref<632x128xf32, #tpu.memory_space<hbm>>)
      tpu.yield
    }) : () -> ()
    return
  }
}

module attributes {stable_mosaic.version = 14 : i64} {
  func.func @_combine_body(%arg0: i32, %arg1: memref<400x128xf32, #tpu.memory_space<vmem>>, %arg2: memref<2x400x128xf32, #tpu.memory_space<vmem>>, %arg3: memref<128x128xf32, #tpu.memory_space<vmem>>, %arg4: memref<128x128xf32, #tpu.memory_space<vmem>>, %arg5: memref<1x128xf32, #tpu.memory_space<vmem>>, %arg6: memref<1x128xf32, #tpu.memory_space<vmem>>, %arg7: memref<400x128xf32, #tpu.memory_space<vmem>>) attributes {dimension_semantics = [#tpu.dimension_semantics<arbitrary>], iteration_bounds = array<i64: 25>, scalar_prefetch = 0 : i64, scratch_operands = 0 : i64, tpu.core_type = #tpu.core_type<tc>, window_params = [{transform_indices = @transform_0, window_bounds = array<i64: 400, 128>}, {transform_indices = @transform_1, window_bounds = array<i64: 2, 400, 128>}, {pipeline_mode = #tpu.pipeline_mode<synchronous>, transform_indices = @transform_2, window_bounds = array<i64: 128, 128>}, {pipeline_mode = #tpu.pipeline_mode<synchronous>, transform_indices = @transform_3, window_bounds = array<i64: 128, 128>}, {pipeline_mode = #tpu.pipeline_mode<synchronous>, transform_indices = @transform_4, window_bounds = array<i64: 1, 128>}, {pipeline_mode = #tpu.pipeline_mode<synchronous>, transform_indices = @transform_5, window_bounds = array<i64: 1, 128>}, {transform_indices = @transform_6, window_bounds = array<i64: 400, 128>}]} {
    %get3A = arith.constant 0 : index
    %get3A_0 = arith.constant 0 : index
    %get3A_1 = vector.load %arg1[%get3A, %get3A_0] : memref<400x128xf32, #tpu.memory_space<vmem>>, vector<400x128xf32>
    %get3A_2 = arith.constant 0 : index
    %get3A_3 = arith.constant 0 : index
    %get3A_4 = arith.constant 0 : index
    %get3A_5 = vector.load %arg2[%get3A_2, %get3A_3, %get3A_4] : memref<2x400x128xf32, #tpu.memory_space<vmem>>, vector<1x400x128xf32>
    %get3A_6 = vector.shape_cast %get3A_5 : vector<1x400x128xf32> to vector<400x128xf32>
    %get3A_7 = arith.constant 1 : index
    %get3A_8 = arith.constant 0 : index
    %get3A_9 = arith.constant 0 : index
    %get3A_10 = vector.load %arg2[%get3A_7, %get3A_8, %get3A_9] : memref<2x400x128xf32, #tpu.memory_space<vmem>>, vector<1x400x128xf32>
    %get3A_11 = vector.shape_cast %get3A_10 : vector<1x400x128xf32> to vector<400x128xf32>
    %add3A = arith.addf %get3A_6, %get3A_11 : vector<400x128xf32>
    %get3A_12 = arith.constant 0 : index
    %get3A_13 = arith.constant 0 : index
    %get3A_14 = vector.load %arg3[%get3A_12, %get3A_13] : memref<128x128xf32, #tpu.memory_space<vmem>>, vector<128x128xf32>
    %dot_general3A = arith.constant dense<0.000000e+00> : vector<400x128xf32>
    %dot_general3A_15 = tpu.matmul %get3A_1, %get3A_14, %dot_general3A {dimension_numbers = #tpu.dot_dimension_numbers<[1], [1], [0], [0], [0, 0, 1, 0], [], []>, transpose_lhs_hint = false} : vector<400x128xf32>, vector<128x128xf32>, vector<400x128xf32> -> vector<400x128xf32>
    %get3A_16 = arith.constant 0 : index
    %get3A_17 = arith.constant 0 : index
    %get3A_18 = vector.load %arg4[%get3A_16, %get3A_17] : memref<128x128xf32, #tpu.memory_space<vmem>>, vector<128x128xf32>
    %dot_general3A_19 = arith.constant dense<0.000000e+00> : vector<400x128xf32>
    %dot_general3A_20 = tpu.matmul %add3A, %get3A_18, %dot_general3A_19 {dimension_numbers = #tpu.dot_dimension_numbers<[1], [1], [0], [0], [0, 0, 1, 0], [], []>, transpose_lhs_hint = false} : vector<400x128xf32>, vector<128x128xf32>, vector<400x128xf32> -> vector<400x128xf32>
    %add3A_21 = arith.addf %dot_general3A_15, %dot_general3A_20 : vector<400x128xf32>
    %get3A_22 = arith.constant 0 : index
    %get3A_23 = arith.constant 0 : index
    %get3A_24 = vector.load %arg5[%get3A_22, %get3A_23] : memref<1x128xf32, #tpu.memory_space<vmem>>, vector<1x128xf32>
    %add3A_25 = vector.broadcast %get3A_24 : vector<1x128xf32> to vector<400x128xf32>
    %add3A_26 = arith.addf %add3A_21, %add3A_25 : vector<400x128xf32>
    %get3A_27 = arith.constant 0 : index
    %get3A_28 = arith.constant 0 : index
    %get3A_29 = vector.load %arg6[%get3A_27, %get3A_28] : memref<1x128xf32, #tpu.memory_space<vmem>>, vector<1x128xf32>
    %add3A_30 = vector.broadcast %get3A_29 : vector<1x128xf32> to vector<400x128xf32>
    %add3A_31 = arith.addf %add3A_26, %add3A_30 : vector<400x128xf32>
    %swap3A = arith.constant 0 : index
    %swap3A_32 = arith.constant 0 : index
    %swap3A_33 = vector.load %arg7[%swap3A, %swap3A_32] : memref<400x128xf32, #tpu.memory_space<vmem>>, vector<400x128xf32>
    tpu.vector_store %arg7[%swap3A, %swap3A_32], %add3A_31 {strides = array<i32>} : memref<400x128xf32, #tpu.memory_space<vmem>>, vector<400x128xf32>,
    return
  }
  func.func @transform_0(%arg0: i32) -> (i32, i32) {
    %c0_i32 = arith.constant 0 : i32
    %c0_i32_0 = arith.constant 0 : i32
    return %arg0, %c0_i32 : i32, i32
  }
  func.func @transform_1(%arg0: i32) -> (i32, i32, i32) {
    %c0_i32 = arith.constant 0 : i32
    %c0_i32_0 = arith.constant 0 : i32
    %c0_i32_1 = arith.constant 0 : i32
    return %c0_i32, %arg0, %c0_i32_0 : i32, i32, i32
  }
  func.func @transform_2(%arg0: i32) -> (i32, i32) {
    %c0_i32 = arith.constant 0 : i32
    %c0_i32_0 = arith.constant 0 : i32
    %c0_i32_1 = arith.constant 0 : i32
    return %c0_i32, %c0_i32_0 : i32, i32
  }
  func.func @transform_3(%arg0: i32) -> (i32, i32) {
    %c0_i32 = arith.constant 0 : i32
    %c0_i32_0 = arith.constant 0 : i32
    %c0_i32_1 = arith.constant 0 : i32
    return %c0_i32, %c0_i32_0 : i32, i32
  }
  func.func @transform_4(%arg0: i32) -> (i32, i32) {
    %c0_i32 = arith.constant 0 : i32
    %c0_i32_0 = arith.constant 0 : i32
    %c0_i32_1 = arith.constant 0 : i32
    return %c0_i32, %c0_i32_0 : i32, i32
  }
  func.func @transform_5(%arg0: i32) -> (i32, i32) {
    %c0_i32 = arith.constant 0 : i32
    %c0_i32_0 = arith.constant 0 : i32
    %c0_i32_1 = arith.constant 0 : i32
    return %c0_i32, %c0_i32_0 : i32, i32
  }
  func.func @transform_6(%arg0: i32) -> (i32, i32) {
    %c0_i32 = arith.constant 0 : i32
    %c0_i32_0 = arith.constant 0 : i32
    return %arg0, %c0_i32 : i32, i32
  }
}

</mosaic_0001>

<sc_bundles>
// kernel: kernel.4.cloned.1.call-start
scs
__scs_entry_jumppad:
0x0: {  	(pc) =	sbr.rel $0x88, $3  }
0x1: {  	(tag) =	ssettag $0x0;
	lr =	simm.s32 $0x1  }
0x2: {  	[smem:$0x3F9B] =	sst lr;
	_ =	strace $0xD0000000  }
0x3: {  	_ = 	snop  }
0x4: {  	_ = 	snop  }
0x5: {  	_ = 	snop  }
0x6: {  	_ = 	snop  }
0x7: {  	_ = 	snop  }
__scs_overlays_trampoline_lowered:
0x8: {  	[smem:$0x3FAA] =	sst s0  }
0x9: {  	[smem:$0x3FAB] =	sst s1  }
0xa: {  	[smem:$0x3FAC] =	sst s2  }
0xb: {  	[smem:$0x3FAD] =	sst s3  }
0xc: {  	[smem:$0x3FAE] =	sst s4  }
0xd: {  	[smem:$0x3FAF] =	sst s5  }
0xe: {  	[smem:$0x3FB0] =	sst s6  }
0xf: {  	[smem:$0x3FB1] =	sst s7  }
0x10: {  	[smem:$0x3FB2] =	sst s8  }
0x11: {  	[smem:$0x3FB3] =	sst s9;
	s0 =	simm.s32 @!p0 $0x0  }
0x12: {  	s1 =	sld [smem:$0x3F99];
	s0 =	simm.s32 @p0 $0x1  }
0x13: {  	[smem:$0x3FB4] =	sst s0;
	s0 =	simm.s32 @!p1 $0x0  }
0x14: {  	s2 =	sld [smem:$0x3F98];
	s0 =	simm.s32 @p1 $0x1  }
0x15: {  	[smem:$0x3FB5] =	sst s0;
	s0 =	simm.s32 @!p2 $0x0  }
0x16: {  	s3 =	sld [smem:$0x3FDB];
	s0 =	simm.s32 @p2 $0x1  }
0x17: {  	s4 =	simm.s32 $0x1BF5;
	[smem:$0x3FB7] =	sst s0  }
0x18: {  	s0 =	sld [smem:$0x3F9A];
	_ =	swait.ge [sflag:s4], $0x0  }
0x19: {  	s7 =	sld [smem:$0x3F9B]  }
0x1a: {  	s8 =	sadd.s32 $0xFFFFE003, lr  }
0x1b: {  	s9 =	sadd.s32 $0xFFFFFEF7, lr;
	s5 =	simm.s32 $0xFFFFFFFF;
	p2 =	slt.u32 s8, $0xFFFFF086  }
0x1c: {  	p1 =	slt.u32 s9, $0xF7A;
	s5 =	simm.s32 @!p2 $0x0  }
0x1d: {  	s5 =	simm.s32 @p1 $0x1;
	p0 =	seq.s32 s7, s2  }
0x1e: {  	s7 =	smul.u32 @!p0 $0xF7A, s2;
	p2 =	seq.s32 @!p0 s5, $0x0  }
0x1f: {  	s9 =	smul.u32 $0xF7A, s1;
	s8 =	simm.s32 @!p0 $0x1BF5;
	p2 =	por !p2, p0  }
0x20: {  	[sflag:s8] =	ssyncset.s32 @!p0 $0xFFFFF086;
	s6 =	sadd.s32 @!p0 s3, s7;
	s7 =	simm.s32 @!p0 $0x108  }
0x21: {  	s3 =	sadd.s32 s3, s9;
	s6 =	sadd.s32 @!p0 $0x88, s6;
	s7 =	simm.s32 @p2 $0x1082  }
0x22: {  	[simem:s7], [sflag:s8] =	dma.local @!p0 [hbm:s6], $0xF7A  }
0x23: {  	s9 =	sor.u32 $0xD0000000, s2;
	s6 =	simm.s32 $0x108;
	_ =	swait.ge @!p0 [sflag:s8], $0x0  }
0x24: {  	s3 =	sadd.s32 $0x88, s3;
	s6 =	simm.s32 @!p1 $0x1082;
	[sflag:s4] =	ssyncset.s32 $0xFFFFF086  }
0x25: {  	[simem:s6], [sflag:s4] =	dma.local [hbm:s3], $0xF7A  }
0x26: {  	[smem:$0x3F9B] =	sst s1;
	(tag) =	ssettag s2;
	_ =	strace s9  }
0x27: {  	s1 =	sld [smem:$0x3FAB]  }
0x28: {  	s2 =	sld [smem:$0x3FAC]  }
0x29: {  	s4 =	sld [smem:$0x3FAE]  }
0x2a: {  	p0 =	seq.s32 s5, $0x0;
	s5 =	sld [smem:$0x3FAF]  }
0x2b: {  	s6 =	sld [smem:$0x3FB0]  }
0x2c: {  	s7 =	sld [smem:$0x3FB1]  }
0x2d: {  	s3 =	simm.s32 $0x108;
	s8 =	sld [smem:$0x3FB2]  }
0x2e: {  	s3 =	simm.s32 @!p0 $0x1082;
	s9 =	sld [smem:$0x3FB3]  }
0x2f: {  	lr =	sadd.s32 s0, s3;
	s0 =	sld [smem:$0x3FAA]  }
0x30: {  	s3 =	sld [smem:$0x3FAD]  }
0x31: {  	[smem:$0x3FB6] =	sst s10  }
0x32: {  	s10 =	sld [smem:$0x3FB4];
	_ =	sdelay $0x3  }
0x33: {  	p0 =	seq.s32 s10, $0x1;
	s10 =	sld [smem:$0x3FB6];
	_ =	sdelay $0x3  }
0x34: {  	[smem:$0x3FB6] =	sst s10  }
0x35: {  	s10 =	sld [smem:$0x3FB5];
	_ =	sdelay $0x3  }
0x36: {  	p1 =	seq.s32 s10, $0x1;
	s10 =	sld [smem:$0x3FB6];
	_ =	sdelay $0x3  }
0x37: {  	[smem:$0x3FB6] =	sst s10  }
0x38: {  	s10 =	sld [smem:$0x3FB7]  }
0x39: {  	_ = 	snop;
	(pc) =	sbr.ind lr, $3  }
0x3a: {  	_ = 	snop  }
0x3b: {  	_ = 	snop  }
0x3c: {  	p2 =	seq.s32 s10, $0x1;
	s10 =	sld [smem:$0x3FB6]  }
0x3d: {  	_ =	shalt  }
0x3e: {  	_ =	shalt  }
0x3f: {  	_ =	shalt  }
0x40: {  	_ =	shalt  }
0x41: {  	_ =	shalt  }
0x42: {  	_ =	shalt  }
0x43: {  	_ =	shalt  }
0x44: {  	_ =	shalt  }
0x45: {  	_ =	shalt  }
0x46: {  	_ =	shalt  }
0x47: {  	_ =	shalt  }
0x48: {  	_ =	shalt  }
0x49: {  	_ =	shalt  }
0x4a: {  	_ =	shalt  }
0x4b: {  	_ =	shalt  }
0x4c: {  	_ =	shalt  }
0x4d: {  	_ =	shalt  }
0x4e: {  	_ =	shalt  }
0x4f: {  	_ =	shalt  }
0x50: {  	_ =	shalt  }
0x51: {  	_ =	shalt  }
0x52: {  	_ =	shalt  }
0x53: {  	_ =	shalt  }
0x54: {  	_ =	shalt  }
0x55: {  	_ =	shalt  }
0x56: {  	_ =	shalt  }
0x57: {  	_ =	shalt  }
0x58: {  	_ =	shalt  }
0x59: {  	_ =	shalt  }
0x5a: {  	_ =	shalt  }
0x5b: {  	_ =	shalt  }
0x5c: {  	_ =	shalt  }
0x5d: {  	_ =	shalt  }
0x5e: {  	_ =	shalt  }
0x5f: {  	_ =	shalt  }
0x60: {  	_ =	shalt  }
0x61: {  	_ =	shalt  }
0x62: {  	_ =	shalt  }
0x63: {  	_ =	shalt  }
0x64: {  	_ =	shalt  }
0x65: {  	_ =	shalt  }
0x66: {  	_ =	shalt  }
0x67: {  	_ =	shalt  }
0x68: {  	_ =	shalt  }
0x69: {  	_ =	shalt  }
0x6a: {  	_ =	shalt  }
0x6b: {  	_ =	shalt  }
0x6c: {  	_ =	shalt  }
0x6d: {  	_ =	shalt  }
0x6e: {  	_ =	shalt  }
0x6f: {  	_ =	shalt  }
0x70: {  	_ =	shalt  }
0x71: {  	_ =	shalt  }
0x72: {  	_ =	shalt  }
0x73: {  	_ =	shalt  }
0x74: {  	_ =	shalt  }
0x75: {  	_ =	shalt  }
0x76: {  	_ =	shalt  }
0x77: {  	_ =	shalt  }
0x78: {  	_ =	shalt  }
0x79: {  	_ =	shalt  }
0x7a: {  	_ =	shalt  }
0x7b: {  	_ =	shalt  }
0x7c: {  	_ =	shalt  }
0x7d: {  	_ =	shalt  }
0x7e: {  	_ =	shalt  }
0x7f: {  	_ =	shalt  }
0x80: {  	_ =	shalt  }
0x81: {  	_ =	shalt  }
0x82: {  	_ =	shalt  }
0x83: {  	_ =	shalt  }
0x84: {  	_ =	shalt  }
0x85: {  	_ =	shalt  }
0x86: {  	_ =	shalt  }
0x87: {  	_ =	shalt  }
.Lfunc_end0:
.L_simem_size_0:
called_computation_lowered:
.L_overlay_start_0:
0x88: {  	s2 =	sld [smem:$0x3FD9]  }
0x89: {  	s3 =	sld [smem:$0x3FFE];
	_ =	sdelay $0x1  }
0x8a: {  	s1 =	srdreg.scid  }
0x8b: {  	s0 =	sand.u32 $0x1, s1  }
0x8c: {  	s17 =	sshll.u32 s0, $0xA;
	s2 =	sadd.s32 s3, s2  }
0x8d: {  	s2 =	sadd.s32 s2, s17  }
0x8e: {  	[smem:$0x3FC2] =	sst s2  }
0x8f: {  	_ = 	snop  }
0x90: {  	s2 =	sld [smem:$0x3FC9]  }
0x91: {  	s18 =	sld [smem:$0x3FD0];
	(tm) =	ssettm $0x1  }
0x92: {  	s4 =	sld [smem:$0x3FFB];
	_ =	sdelay $0x3  }
0x93: {  	_ =	strace s4  }
0x94: {  	s4 =	sld [smem:$0x3FFC];
	_ =	sdelay $0x3  }
0x95: {  	_ =	strace s4  }
0x96: {  	s4 =	sld [smem:$0x3FFD];
	_ =	sdelay $0x3  }
0x97: {  	_ =	strace s4  }
0x98: {  	_ =	strace $0x8FFFFFFF  }
0x99: {  	s19 =	sld [smem:$0x3FDB];
	_ =	sdelay $0x1  }
0x9a: {  	s5 =	simm.s32 $_scs_section_size  }
0x9b: {  	s6 =	simm.s32 $_size__tile_overlayer_lowered;
	s7 =	simm.s32 $_tile_overlayer_lowered  }
0x9c: {  	s22 =	simm.s32 $0x1BFF;
	s21 =	sshll.u32 s7, $0x1;
	s4 =	sadd.s32 s5, s19  }
0x9d: {  	s8 =	simm.s32 $0x0;
	s20 =	sshll.u32 s6, $0x1;
	s6 =	sadd.s32 s21, s4  }
0x9e: {  	[timem:s8], [sflag:s22] =	dma.local [hbm:s6], s20  }
0x9f: {  	_ =	swait.ge [sflag:s22], s20  }
0xa0: {  	s5 =	ssub.s32 $0x0, s20;
	[sflag:s22] =	ssyncset.done $0x0  }
0xa1: {  	[sflag:s22] =	ssyncadd.s32 s5;
	_ =	sdelay $0x1  }
0xa2: {  	s23 =	simm.s32 $0x1B8B  }
0xa3: {  	_ =	swait.ge [sflag:s23], $0x1  }
0xa4: {  	[sflag:s23] =	ssyncset.done $0x0  }
0xa5: {  	s25 =	simm.s32 $0x1B8E;
	s24 =	sld [smem:$0x3FFE];
	[sflag:s23] =	ssyncadd.s32 $0xFFFFFFFF  }
0xa6: {  	s26 =	simm.s32 $execute0_lowered;
	[smem:$0x3FD2] =	sst s25  }
0xa7: {  	s6 =	sshll.u32 s26, $0x1;
	_ =	strace $0x80000046;
	[dreg:$0x1] =	wrdreg $0xFFFFFFFF  }
0xa8: {  	s28 =	simm.s32 $_size_execute0_lowered;
	s4 =	sadd.s32 s4, s6;
	[dreg:$0x0] =	wrdreg $0x0  }
0xa9: {  	s6 =	sshll.u32 s28, $0x1;
	[dreg:$0x2] =	wrdreg s4  }
0xaa: {  	[dreg:$0x3] =	wrdreg s6  }
0xab: {  	[dreg:$0x4] =	wrdreg $0xC0  }
0xac: {  	_ =	task [dreg:s8], $0x5FFFF  }
0xad: {  	[dreg:$0x1] =	wrdreg $0xFFFFFFFF  }
0xae: {  	[dreg:$0x0] =	wrdreg $0x60  }
0xaf: {  	[dreg:$0x2] =	wrdreg s2  }
0xb0: {  	[dreg:$0x3] =	wrdreg s18  }
0xb1: {  	[dreg:$0x4] =	wrdreg s24  }
0xb2: {  	[dreg:$0x5] =	wrdreg $0x90000  }
0xb3: {  	[dreg:$0x6] =	wrdreg $0x9  }
0xb4: {  	_ =	task.clear_ibuf [dreg:s8], $0x7FFFF;
	_ =	strace $0x90000046  }
0xb5: {  	s29 =	simm.s32 $0x9;
	_ =	strace $0x80000048  }
0xb6: {  	_ =	swait.ge [sflag:s29], $0x1  }
0xb7: {  	[sflag:s29] =	ssyncadd.s32 $0xFFFFFFFF  }
0xb8: {  	_ =	strace $0x90000048  }
0xb9: {  	_ =	sfence  }
0xba: {  	s30 =	sld [smem:$0x0];
	_ =	sdelay $0x2  }
0xbb: {  	s31 =	sshll.u32 s1, $0xD;
	s1 =	sshrl.u32 s1, $0x2  }
0xbc: {  	s3 =	sand.u32 $0x4000, s31;
	s1 =	sadd.s32 s1, s30  }
0xbd: {  	s0 =	sor.u32 s3, s0;
	s1 =	sshll.u32 s1, $0x11  }
0xbe: {  	s0 =	sor.u32 s1, s0  }
0xbf: {  	s0 =	sadd.s32 $0x8F2B, s0  }
0xc0: {  	[sflag:s0] =	ssyncadd.remote.s32 $0x1  }
0xc1: {  	_ =	sfence.sel $0xFFFF  }
0xc2: {  	[dreg:$0x0] =	wrdreg $0xFFFFFFFF;
	(pc) =	sbr.abs _section_cstart, $3  }
0xc3: {  	[dreg:$0x1] =	wrdreg $0xFFFFFFFF  }
0xc4: {  	_ =	task.clear_ibuf [dreg:s8], $0x2FFFF;
	_ =	strace $0x9FFFFFFF  }
0xc5: {  	(tm) =	ssettm $0x7FFFFFFF  }
tec
execute0_lowered:
.L_overlay_start_1:
0x0: {  	(tag) =	ssettag $0x1  }
0x1: {  	s1 =	rddreg [dreg:$0x0]  }
0x2: {  	s15 =	rddreg [dreg:$0x1]  }
0x3: {  	s5 =	rddreg [dreg:$0x2]  }
0x4: {  	s3 =	rddreg [dreg:$0x3];
	s2 =	srdreg.scid  }
0x5: {  	s0 =	rddreg [dreg:$0x4];
	s4 =	simm.s32 $0x0;
	s17 =	simm.s32 $0x800  }
0x6: {  	s18 =	simm.s32 $0x80;
	s19 =	simm.s32 $0x1000;
	s6 =	sand.u32 $0x1, s2  }
0x7: {  	s20 =	simm.s32 $0x5000;
	s2 =	stileid.u32;
	s7 =	smul.u32 $0x13C000, s6  }
0x8: {  	s21 =	simm.s32 $0x2;
	s22 =	simm.s32 $0x1;
	s8 =	smul.u32 $0x13C00, s2  }
0x9: {  	s23 =	simm.s32 $0x0;
	[smem:$0x7FF] =	sst s4;
	s28 =	smul.u32 $0x4F000, s2  }
0xa: {  	s14 =	sadd.s32 $0x1200, s5;
	s9 =	sshll.u32 s2, $0x1;
	s10 =	smul.u32 $0x5000, s2  }
0xb: {  	_ =	strace $0x80000047;
	s29 =	ssub.s32 $0x2, s6;
	s11 =	smul.u32 $0x2800, s6  }
0xc: {  	s9 =	sor.u32 s6, s9;
	s30 =	sshrl.u32 s29, $0x1;
	s7 =	sadd.s32 s8, s7  }
0xd: {  	s26 =	smul.u32 $0x2800, s9;
	s13 =	ssub.s32 s29, s30;
	s10 =	sadd.s32 s11, s10  }
0xe: {  	s31 =	sshrl.u32 s28, $0x2;
	s7 =	sshrl.u32 s7, $0x3;
	s16 =	sor.u32 $0x400, s10  }
0xf: {  	s13 =	smax.u32 s13, $0x1;
	s12 =	sadd.s32 s7, s5;
	s8 =	sshrl.u32 s26, $0x3  }
0x10: {  	s7 =	sadd.s32 s31, s3;
	s16 =	sshrl.u32 s16, $0x3;
	s5 =	sadd.s32 s15, s8  }
0x11: {  	s6 =	sadd.s32 s14, s8;
	s8 =	sadd.s32 $0x4000, s7;
	s9 =	sadd.s32 $0x8000, s7  }
0x12: {  	s10 =	sadd.s32 $0xC000, s7;
	s11 =	sadd.s32 $0x10000, s7;
	s12 =	sadd.s32 $0xB200, s12  }
0x13: {  	v0 =	vimm.f32 $0.0e+00;
	s14 =	sadd.s32 s16, s14;
	s15 =	sadd.s32 s16, s15;
	s16 =	simm.s32 $0x4  }
.LBB2_1:
0x14: {  	[tilespmem:s4], [sflag:$0x4] =	stream.linear.gather [hbm4b:s5+s4], $0x400, $0x38;
	[tilespmem:$0x1CC00] =	vst v63  }
0x15: {  	_ =	swait.ge [sflag:s16], $0x400  }
0x16: {  	[sflag:s16] =	ssyncset.done $0x0  }
0x17: {  	[sflag:s16] =	ssyncadd.s32 $0xFFFFFC00  }
0x18: {  	[tilespmem:s17], [sflag:$0x4] =	stream.linear.gather [hbm4b:s6+s4], $0x400, $0x38;
	[tilespmem:$0x1CC00] =	vst v63  }
0x19: {  	_ =	swait.ge [sflag:s16], $0x400  }
0x1a: {  	[sflag:s16] =	ssyncset.done $0x0  }
0x1b: {  	s24 =	simm.s32 $0x0;
	s25 =	simm.s32 $0x200;
	[sflag:s16] =	ssyncadd.s32 $0xFFFFFC00  }
0x1c: {  	[tilespmem:s19], [sflag:$0x1] =	stream.indirect.gather [hbm4b:s1+s18], $0x80, s4, s18, $0xb8;
	[tilespmem:$0x1CC00] =	vst v63  }
.LBB2_2:
0x1d: {  	p0 =	sne.s32 s25, $0xFE00;
	[tilespmem:s24+$0x5070] =	vst v0  }
0x1e: {  	[tilespmem:s24+$0x5000] =	vst v0  }
0x1f: {  	[tilespmem:s24+$0x5010] =	vst v0  }
.Ltmp0:
0x20: {  	[tilespmem:s24+$0x5020] =	vst v0;
	(pc) =	sbr.rel @p0 .LBB2_2-.Ltmp0, $4  }
0x21: {  	[tilespmem:s24+$0x5030] =	vst v0  }
0x22: {  	[tilespmem:s24+$0x5040] =	vst v0  }
0x23: {  	[tilespmem:s24+$0x5050] =	vst v0  }
0x24: {  	[tilespmem:s24+$0x5060] =	vst v0;
	s24 =	sshra.s32 s25, $0x2;
	s25 =	sadd.s32 $0x200, s25  }
0x25: {  	[tilespmem:s24+$0x5070] =	vst v0  }
0x26: {  	[tilespmem:s24+$0x5000] =	vst v0  }
0x27: {  	[tilespmem:s24+$0x5010] =	vst v0  }
0x28: {  	[tilespmem:s24+$0x5020] =	vst v0  }
0x29: {  	[tilespmem:s24+$0x5030] =	vst v0  }
0x2a: {  	[tilespmem:s24+$0x5040] =	vst v0  }
0x2b: {  	[tilespmem:s24+$0x5050] =	vst v0  }
0x2c: {  	[tilespmem:s24+$0x5060] =	vst v0  }
0x2d: {  	[spmem:s7] =	stream.linear.scatter [tilespmem:s20], [sflag:$0x2], $0x4000, $0x38;
	[tilespmem:$0x1CC00] =	vst v63  }
0x2e: {  	_ = 	snop  }
0x2f: {  	[spmem:s8] =	stream.linear.scatter [tilespmem:s20], [sflag:$0x2], $0x4000, $0x38;
	[tilespmem:$0x1CC00] =	vst v63  }
0x30: {  	_ = 	snop  }
0x31: {  	[spmem:s9] =	stream.linear.scatter [tilespmem:s20], [sflag:$0x2], $0x4000, $0x38;
	[tilespmem:$0x1CC00] =	vst v63  }
0x32: {  	_ = 	snop  }
0x33: {  	[spmem:s10] =	stream.linear.scatter [tilespmem:s20], [sflag:$0x2], $0x4000, $0x38;
	[tilespmem:$0x1CC00] =	vst v63  }
0x34: {  	_ = 	snop  }
0x35: {  	[spmem:s11] =	stream.linear.scatter [tilespmem:s20], [sflag:$0x2], $0x3C00, $0x38;
	[tilespmem:$0x1CC00] =	vst v63  }
0x36: {  	_ =	swait.ge [sflag:s21], $0x4000  }
0x37: {  	[sflag:s21] =	ssyncset.done $0x0  }
0x38: {  	[sflag:s21] =	ssyncadd.s32 $0xFFFFC000  }
0x39: {  	_ =	swait.ge [sflag:s21], $0x4000  }
0x3a: {  	[sflag:s21] =	ssyncset.done $0x0  }
0x3b: {  	[sflag:s21] =	ssyncadd.s32 $0xFFFFC000  }
0x3c: {  	_ =	swait.ge [sflag:s21], $0x4000  }
0x3d: {  	[sflag:s21] =	ssyncset.done $0x0  }
0x3e: {  	[sflag:s21] =	ssyncadd.s32 $0xFFFFC000  }
0x3f: {  	_ =	swait.ge [sflag:s21], $0x4000  }
0x40: {  	[sflag:s21] =	ssyncset.done $0x0  }
0x41: {  	[sflag:s21] =	ssyncadd.s32 $0xFFFFC000  }
0x42: {  	_ =	swait.ge [sflag:s21], $0x3C00  }
0x43: {  	s24 =	simm.s32 $0x1;
	[sflag:s21] =	ssyncset.done $0x0  }
0x44: {  	p0 =	por $0x0, $0x0;
	s25 =	sand.u32 $0x1, s24;
	[sflag:s21] =	ssyncadd.s32 $0xFFFFC400  }
0x45: {  	s26 =	simm.s32 @!p0 $0x0;
	s25 =	sshll.u32 @!p0 s25, $0xA;
	[bflag:$0x0] =	sbarrier.arrive $0xFFFF  }
0x46: {  	[tilespmem:s25], [sflag:$0x3] =	stream.linear.gather @!p0 [hbm4b:s15+s26], $0x400, $0x38;
	[tilespmem:$0x1CC00] =	vst v63  }
0x47: {  	s28 =	simm.s32 $0x0;
	s29 =	sor.u32 @!p0 $0x800, s25  }
0x48: {  	[tilespmem:s29], [sflag:$0x3] =	stream.linear.gather @!p0 [hbm4b:s14+s26], $0x400, $0x38;
	[tilespmem:$0x1CC00] =	vst v63  }
0x49: {  	s29 =	sand.u32 $0x1, s28;
	_ =	swait.ge [sflag:s22], $0x4000  }
0x4a: {  	s26 =	sshll.u32 s29, $0xA;
	[sflag:s22] =	ssyncset.done $0x0  }
0x4b: {  	s30 =	sor.u32 $0x80, s26;
	[sflag:s22] =	ssyncadd.s32 $0xFFFFC000  }
0x4c: {  	[tilespmem:s20], [sflag:$0x2] =	stream.indirect.gather [hbm4b:s1+s18], $0x80, s30, s18, $0xb8;
	[tilespmem:$0x1CC00] =	vst v63  }
0x4d: {  	s31 =	sor.u32 $0x800, s26  }
0x4e: {  	[spmem:s3] =	stream.indirect.scatter.add.f32 [tilespmem:s19], [sflag:$0x4], $0x80, s31, s18, $0xb8;
	[tilespmem:$0x1CC00] =	vst v63  }
0x4f: {  	_ =	swait.ge [sflag:s16], $0x4000  }
0x50: {  	[sflag:s16] =	ssyncset.done $0x0  }
0x51: {  	[sflag:s16] =	ssyncadd.s32 $0xFFFFC000  }
0x52: {  	_ =	swait.ge [sflag:s21], $0x4000  }
0x53: {  	[sflag:s21] =	ssyncset.done $0x0  }
0x54: {  	s29 =	sor.u32 $0x100, s26;
	[sflag:s21] =	ssyncadd.s32 $0xFFFFC000  }
0x55: {  	[tilespmem:s19], [sflag:$0x1] =	stream.indirect.gather [hbm4b:s1+s18], $0x80, s29, s18, $0xb8;
	[tilespmem:$0x1CC00] =	vst v63  }
0x56: {  	s30 =	sor.u32 $0x880, s26  }
0x57: {  	[spmem:s3] =	stream.indirect.scatter.add.f32 [tilespmem:s20], [sflag:$0x4], $0x80, s30, s18, $0xb8;
	[tilespmem:$0x1CC00] =	vst v63  }
0x58: {  	_ =	swait.ge [sflag:s16], $0x4000  }
0x59: {  	[sflag:s16] =	ssyncset.done $0x0  }
0x5a: {  	[sflag:s16] =	ssyncadd.s32 $0xFFFFC000  }
0x5b: {  	_ =	swait.ge [sflag:s22], $0x4000  }
0x5c: {  	[sflag:s22] =	ssyncset.done $0x0  }
0x5d: {  	s31 =	sor.u32 $0x180, s26;
	[sflag:s22] =	ssyncadd.s32 $0xFFFFC000  }
0x5e: {  	[tilespmem:s20], [sflag:$0x2] =	stream.indirect.gather [hbm4b:s1+s18], $0x80, s31, s18, $0xb8;
	[tilespmem:$0x1CC00] =	vst v63  }
0x5f: {  	s29 =	sor.u32 $0x900, s26  }
0x60: {  	[spmem:s3] =	stream.indirect.scatter.add.f32 [tilespmem:s19], [sflag:$0x4], $0x80, s29, s18, $0xb8;
	[tilespmem:$0x1CC00] =	vst v63  }
0x61: {  	_ =	swait.ge [sflag:s16], $0x4000  }
0x62: {  	[sflag:s16] =	ssyncset.done $0x0  }
0x63: {  	[sflag:s16] =	ssyncadd.s32 $0xFFFFC000  }
0x64: {  	_ =	swait.ge [sflag:s21], $0x4000  }
0x65: {  	[sflag:s21] =	ssyncset.done $0x0  }
0x66: {  	s30 =	sor.u32 $0x200, s26;
	[sflag:s21] =	ssyncadd.s32 $0xFFFFC000  }
0x67: {  	[tilespmem:s19], [sflag:$0x1] =	stream.indirect.gather [hbm4b:s1+s18], $0x80, s30, s18, $0xb8;
	[tilespmem:$0x1CC00] =	vst v63  }
0x68: {  	s31 =	sor.u32 $0x980, s26  }
0x69: {  	[spmem:s3] =	stream.indirect.scatter.add.f32 [tilespmem:s20], [sflag:$0x4], $0x80, s31, s18, $0xb8;
	[tilespmem:$0x1CC00] =	vst v63  }
0x6a: {  	_ =	swait.ge [sflag:s16], $0x4000  }
0x6b: {  	[sflag:s16] =	ssyncset.done $0x0  }
0x6c: {  	[sflag:s16] =	ssyncadd.s32 $0xFFFFC000  }
0x6d: {  	_ =	swait.ge [sflag:s22], $0x4000  }
0x6e: {  	[sflag:s22] =	ssyncset.done $0x0  }
0x6f: {  	s29 =	sor.u32 $0x280, s26;
	[sflag:s22] =	ssyncadd.s32 $0xFFFFC000  }
0x70: {  	[tilespmem:s20], [sflag:$0x2] =	stream.indirect.gather [hbm4b:s1+s18], $0x80, s29, s18, $0xb8;
	[tilespmem:$0x1CC00] =	vst v63  }
0x71: {  	s30 =	sor.u32 $0xA00, s26  }
0x72: {  	[spmem:s3] =	stream.indirect.scatter.add.f32 [tilespmem:s19], [sflag:$0x4], $0x80, s30, s18, $0xb8;
	[tilespmem:$0x1CC00] =	vst v63  }
0x73: {  	_ =	swait.ge [sflag:s16], $0x4000  }
0x74: {  	[sflag:s16] =	ssyncset.done $0x0  }
0x75: {  	[sflag:s16] =	ssyncadd.s32 $0xFFFFC000  }
0x76: {  	_ =	swait.ge [sflag:s21], $0x4000  }
0x77: {  	[sflag:s21] =	ssyncset.done $0x0  }
0x78: {  	s31 =	sor.u32 $0x300, s26;
	[sflag:s21] =	ssyncadd.s32 $0xFFFFC000  }
0x79: {  	[tilespmem:s19], [sflag:$0x1] =	stream.indirect.gather [hbm4b:s1+s18], $0x80, s31, s18, $0xb8;
	[tilespmem:$0x1CC00] =	vst v63  }
0x7a: {  	s29 =	sor.u32 $0xA80, s26  }
0x7b: {  	[spmem:s3] =	stream.indirect.scatter.add.f32 [tilespmem:s20], [sflag:$0x4], $0x80, s29, s18, $0xb8;
	[tilespmem:$0x1CC00] =	vst v63  }
0x7c: {  	_ =	swait.ge [sflag:s16], $0x4000  }
0x7d: {  	[sflag:s16] =	ssyncset.done $0x0  }
0x7e: {  	[sflag:s16] =	ssyncadd.s32 $0xFFFFC000  }
0x7f: {  	_ =	swait.ge [sflag:s22], $0x4000  }
0x80: {  	[sflag:s22] =	ssyncset.done $0x0  }
0x81: {  	s30 =	sor.u32 $0x380, s26;
	[sflag:s22] =	ssyncadd.s32 $0xFFFFC000  }
0x82: {  	[tilespmem:s20], [sflag:$0x2] =	stream.indirect.gather [hbm4b:s1+s18], $0x80, s30, s18, $0xb8;
	[tilespmem:$0x1CC00] =	vst v63  }
0x83: {  	s26 =	sor.u32 $0xB00, s26  }
0x84: {  	[spmem:s3] =	stream.indirect.scatter.add.f32 [tilespmem:s19], [sflag:$0x4], $0x80, s26, s18, $0xb8;
	[tilespmem:$0x1CC00] =	vst v63  }
0x85: {  	_ =	swait.ge [sflag:s16], $0x4000  }
0x86: {  	[sflag:s16] =	ssyncset.done $0x0  }
0x87: {  	[sflag:s16] =	ssyncadd.s32 $0xFFFFC000  }
0x88: {  	_ =	swait.ge [sflag:s21], $0x4000  }
0x89: {  	[sflag:s21] =	ssyncset.done $0x0  }
0x8a: {  	s26 =	simm.s32 @!p0 $0x3;
	[sflag:s21] =	ssyncadd.s32 $0xFFFFC000  }
0x8b: {  	_ =	swait.ge @!p0 [sflag:s26], $0x400  }
0x8c: {  	[sflag:s26] =	ssyncset.done @!p0 $0x0  }
0x8d: {  	[sflag:s26] =	ssyncadd.s32 @!p0 $0xFFFFFC00  }
0x8e: {  	_ =	swait.ge @!p0 [sflag:s26], $0x400  }
0x8f: {  	[sflag:s26] =	ssyncset.done @!p0 $0x0  }
0x90: {  	s29 =	simm.s32 @!p0 $0x1000;
	[sflag:s26] =	ssyncadd.s32 @!p0 $0xFFFFFC00;
	s26 =	simm.s32 @!p0 $0x80  }
0x91: {  	[tilespmem:s29], [sflag:$0x1] =	stream.indirect.gather @!p0 [hbm4b:s1+s26], $0x80, s25, s26, $0xb8;
	[tilespmem:$0x1CC00] =	vst v63  }
0x92: {  	s31 =	sor.u32 $0x800, s30;
	s25 =	smov.u32 s15;
	s26 =	smov.u32 s14  }
0x93: {  	[spmem:s3] =	stream.indirect.scatter.add.f32 [tilespmem:s20], [sflag:$0x4], $0x80, s31, s18, $0xb8;
	[tilespmem:$0x1CC00] =	vst v63  }
.LBB2_4:
0x94: {  	_ =	swait.ge [sflag:s16], $0x4000  }
0x95: {  	s25 =	sadd.s32 $0x80, s25;
	s29 =	smov.u32 s24;
	s24 =	sadd.s32 $0x1, s24  }
0x96: {  	s28 =	sand.u32 $0x1, s24;
	p0 =	seq.s32 s29, $0x9;
	[sflag:s16] =	ssyncset.done $0x0  }
0x97: {  	s28 =	sshll.u32 @!p0 s28, $0xA;
	s30 =	simm.s32 @!p0 $0x0;
	[sflag:s16] =	ssyncadd.s32 $0xFFFFC000  }
0x98: {  	[tilespmem:s28], [sflag:$0x3] =	stream.linear.gather @!p0 [hbm4b:s25+s30], $0x400, $0x38;
	[tilespmem:$0x1CC00] =	vst v63  }
0x99: {  	s26 =	sadd.s32 $0x80, s26;
	p1 =	sne.s32 s24, $0xA;
	s31 =	sor.u32 @!p0 $0x800, s28  }
0x9a: {  	[tilespmem:s31], [sflag:$0x3] =	stream.linear.gather @!p0 [hbm4b:s26+s30], $0x400, $0x38;
	[tilespmem:$0x1CC00] =	vst v63  }
0x9b: {  	s29 =	sand.u32 $0x1, s29;
	_ =	swait.ge [sflag:s22], $0x4000  }
0x9c: {  	s29 =	sshll.u32 s29, $0xA;
	[sflag:s22] =	ssyncset.done $0x0  }
0x9d: {  	s30 =	sor.u32 $0x80, s29;
	[sflag:s22] =	ssyncadd.s32 $0xFFFFC000  }
0x9e: {  	[tilespmem:s20], [sflag:$0x2] =	stream.indirect.gather [hbm4b:s1+s18], $0x80, s30, s18, $0xb8;
	[tilespmem:$0x1CC00] =	vst v63  }
0x9f: {  	s30 =	sor.u32 $0x800, s29  }
0xa0: {  	[spmem:s3] =	stream.indirect.scatter.add.f32 [tilespmem:s19], [sflag:$0x4], $0x80, s30, s18, $0xb8;
	[tilespmem:$0x1CC00] =	vst v63  }
0xa1: {  	_ =	swait.ge [sflag:s16], $0x4000  }
0xa2: {  	[sflag:s16] =	ssyncset.done $0x0  }
0xa3: {  	[sflag:s16] =	ssyncadd.s32 $0xFFFFC000  }
0xa4: {  	_ =	swait.ge [sflag:s21], $0x4000  }
0xa5: {  	[sflag:s21] =	ssyncset.done $0x0  }
0xa6: {  	s30 =	sor.u32 $0x100, s29;
	[sflag:s21] =	ssyncadd.s32 $0xFFFFC000  }
0xa7: {  	[tilespmem:s19], [sflag:$0x1] =	stream.indirect.gather [hbm4b:s1+s18], $0x80, s30, s18, $0xb8;
	[tilespmem:$0x1CC00] =	vst v63  }
0xa8: {  	s30 =	sor.u32 $0x880, s29  }
0xa9: {  	[spmem:s3] =	stream.indirect.scatter.add.f32 [tilespmem:s20], [sflag:$0x4], $0x80, s30, s18, $0xb8;
	[tilespmem:$0x1CC00] =	vst v63  }
0xaa: {  	_ =	swait.ge [sflag:s16], $0x4000  }
0xab: {  	[sflag:s16] =	ssyncset.done $0x0  }
0xac: {  	[sflag:s16] =	ssyncadd.s32 $0xFFFFC000  }
0xad: {  	_ =	swait.ge [sflag:s22], $0x4000  }
0xae: {  	[sflag:s22] =	ssyncset.done $0x0  }
0xaf: {  	s30 =	sor.u32 $0x180, s29;
	[sflag:s22] =	ssyncadd.s32 $0xFFFFC000  }
0xb0: {  	[tilespmem:s20], [sflag:$0x2] =	stream.indirect.gather [hbm4b:s1+s18], $0x80, s30, s18, $0xb8;
	[tilespmem:$0x1CC00] =	vst v63  }
0xb1: {  	s30 =	sor.u32 $0x900, s29  }
0xb2: {  	[spmem:s3] =	stream.indirect.scatter.add.f32 [tilespmem:s19], [sflag:$0x4], $0x80, s30, s18, $0xb8;
	[tilespmem:$0x1CC00] =	vst v63  }
0xb3: {  	_ =	swait.ge [sflag:s16], $0x4000  }
0xb4: {  	[sflag:s16] =	ssyncset.done $0x0  }
0xb5: {  	[sflag:s16] =	ssyncadd.s32 $0xFFFFC000  }
0xb6: {  	_ =	swait.ge [sflag:s21], $0x4000  }
0xb7: {  	[sflag:s21] =	ssyncset.done $0x0  }
0xb8: {  	s30 =	sor.u32 $0x200, s29;
	[sflag:s21] =	ssyncadd.s32 $0xFFFFC000  }
0xb9: {  	[tilespmem:s19], [sflag:$0x1] =	stream.indirect.gather [hbm4b:s1+s18], $0x80, s30, s18, $0xb8;
	[tilespmem:$0x1CC00] =	vst v63  }
0xba: {  	s30 =	sor.u32 $0x980, s29  }
0xbb: {  	[spmem:s3] =	stream.indirect.scatter.add.f32 [tilespmem:s20], [sflag:$0x4], $0x80, s30, s18, $0xb8;
	[tilespmem:$0x1CC00] =	vst v63  }
0xbc: {  	_ =	swait.ge [sflag:s16], $0x4000  }
0xbd: {  	[sflag:s16] =	ssyncset.done $0x0  }
0xbe: {  	[sflag:s16] =	ssyncadd.s32 $0xFFFFC000  }
0xbf: {  	_ =	swait.ge [sflag:s22], $0x4000  }
0xc0: {  	[sflag:s22] =	ssyncset.done $0x0  }
0xc1: {  	s30 =	sor.u32 $0x280, s29;
	[sflag:s22] =	ssyncadd.s32 $0xFFFFC000  }
0xc2: {  	[tilespmem:s20], [sflag:$0x2] =	stream.indirect.gather [hbm4b:s1+s18], $0x80, s30, s18, $0xb8;
	[tilespmem:$0x1CC00] =	vst v63  }
0xc3: {  	s30 =	sor.u32 $0xA00, s29  }
0xc4: {  	[spmem:s3] =	stream.indirect.scatter.add.f32 [tilespmem:s19], [sflag:$0x4], $0x80, s30, s18, $0xb8;
	[tilespmem:$0x1CC00] =	vst v63  }
0xc5: {  	_ =	swait.ge [sflag:s16], $0x4000  }
0xc6: {  	[sflag:s16] =	ssyncset.done $0x0  }
0xc7: {  	[sflag:s16] =	ssyncadd.s32 $0xFFFFC000  }
0xc8: {  	_ =	swait.ge [sflag:s21], $0x4000  }
0xc9: {  	[sflag:s21] =	ssyncset.done $0x0  }
0xca: {  	s30 =	sor.u32 $0x300, s29;
	[sflag:s21] =	ssyncadd.s32 $0xFFFFC000  }
0xcb: {  	[tilespmem:s19], [sflag:$0x1] =	stream.indirect.gather [hbm4b:s1+s18], $0x80, s30, s18, $0xb8;
	[tilespmem:$0x1CC00] =	vst v63  }
0xcc: {  	s30 =	sor.u32 $0xA80, s29  }
0xcd: {  	[spmem:s3] =	stream.indirect.scatter.add.f32 [tilespmem:s20], [sflag:$0x4], $0x80, s30, s18, $0xb8;
	[tilespmem:$0x1CC00] =	vst v63  }
0xce: {  	_ =	swait.ge [sflag:s16], $0x4000  }
0xcf: {  	[sflag:s16] =	ssyncset.done $0x0  }
0xd0: {  	[sflag:s16] =	ssyncadd.s32 $0xFFFFC000  }
0xd1: {  	_ =	swait.ge [sflag:s22], $0x4000  }
0xd2: {  	[sflag:s22] =	ssyncset.done $0x0  }
0xd3: {  	s30 =	sor.u32 $0x380, s29;
	[sflag:s22] =	ssyncadd.s32 $0xFFFFC000  }
0xd4: {  	[tilespmem:s20], [sflag:$0x2] =	stream.indirect.gather [hbm4b:s1+s18], $0x80, s30, s18, $0xb8;
	[tilespmem:$0x1CC00] =	vst v63  }
0xd5: {  	s29 =	sor.u32 $0xB00, s29  }
0xd6: {  	[spmem:s3] =	stream.indirect.scatter.add.f32 [tilespmem:s19], [sflag:$0x4], $0x80, s29, s18, $0xb8;
	[tilespmem:$0x1CC00] =	vst v63  }
0xd7: {  	_ =	swait.ge [sflag:s16], $0x4000  }
0xd8: {  	[sflag:s16] =	ssyncset.done $0x0  }
0xd9: {  	[sflag:s16] =	ssyncadd.s32 $0xFFFFC000  }
0xda: {  	_ =	swait.ge [sflag:s21], $0x4000  }
0xdb: {  	[sflag:s21] =	ssyncset.done $0x0  }
0xdc: {  	s29 =	simm.s32 @!p0 $0x3;
	[sflag:s21] =	ssyncadd.s32 $0xFFFFC000  }
0xdd: {  	_ =	swait.ge @!p0 [sflag:s29], $0x400  }
0xde: {  	[sflag:s29] =	ssyncset.done @!p0 $0x0  }
0xdf: {  	[sflag:s29] =	ssyncadd.s32 @!p0 $0xFFFFFC00  }
0xe0: {  	_ =	swait.ge @!p0 [sflag:s29], $0x400  }
.Ltmp1:
0xe1: {  	[sflag:s29] =	ssyncset.done @!p0 $0x0;
	(pc) =	sbr.rel @p1 .LBB2_4-.Ltmp1, $4  }
0xe2: {  	s31 =	simm.s32 @!p0 $0x1000;
	[sflag:s29] =	ssyncadd.s32 @!p0 $0xFFFFFC00;
	s29 =	simm.s32 @!p0 $0x80  }
0xe3: {  	[tilespmem:s31], [sflag:$0x1] =	stream.indirect.gather @!p0 [hbm4b:s1+s29], $0x80, s28, s29, $0xb8;
	[tilespmem:$0x1CC00] =	vst v63  }
0xe4: {  	s28 =	sor.u32 $0x800, s30  }
0xe5: {  	[spmem:s3] =	stream.indirect.scatter.add.f32 [tilespmem:s20], [sflag:$0x4], $0x80, s28, s18, $0xb8;
	[tilespmem:$0x1CC00] =	vst v63  }
0xe6: {  	_ =	swait.ge [sflag:s16], $0x4000  }
0xe7: {  	s24 =	sshll.u32 s2, $0x6;
	s23 =	sadd.s32 $0x1, s23;
	[sflag:s16] =	ssyncset.done $0x0  }
0xe8: {  	s25 =	sshrl.u32 s7, $0x3;
	p0 =	sne.s32 s23, s13;
	[sflag:s16] =	ssyncadd.s32 $0xFFFFC000  }
.Ltmp2:
0xe9: {  	s24 =	sor.u32 $0x1C04, s24;
	[bflag:$0x0] =	sbarrier.arrive $0xFFFF;
	(pc) =	sbr.rel @p0 .LBB2_1-.Ltmp2, $4  }
0xea: {  	[hbm:s12], [sflag:s24] =	dma.local [spmem:s25], $0x2780  }
0xeb: {  	_ =	swait.ge [sflag:s16], $0x2780  }
0xec: {  	[sflag:s16] =	ssyncset.done $0x0  }
0xed: {  	[sflag:s16] =	ssyncadd.s32 $0xFFFFD880  }
0xee: {  	_ =	sfence.sel $0x180000  }
0xef: {  	[bflag:$0x0] =	sbarrier.arrive $0xFFFF  }
0xf0: {  	p0 =	sne.s32 s2, $0x0;
	_ =	strace $0x90000047  }
0xf1: {  	s0 =	sadd.s32 @!p0 $0x100000, s0;
	[bflag:$0x2] =	sbarrier.arrive $0xFFFF  }
0xf2: {  	[sflag:s0] =	ssyncadd.tile.s32 @!p0 $0x1;
	_ =	shalt  }
.Lfunc_end2:
_tile_overlayer_lowered:
.L_overlay_start_2:
0xf3: {  	(tag) =	ssettag $0x2  }
0xf4: {  	s0 =	rddreg [dreg:$0x0];
	s2 =	stileid.u32  }
0xf5: {  	s1 =	rddreg [dreg:$0x1];
	p0 =	sne.s32 s2, $0x0  }
0xf6: {  	s3 =	rddreg [dreg:$0x2];
	[bflag:$0x3] =	sbarrier.arrive $0xFFFF;
	s2 =	simm.s32 @!p0 $0x1C04  }
0xf7: {  	[timem:s3], [sflag:s2] =	dma.local @!p0 [hbm:s0], s1  }
0xf8: {  	s0 =	simm.s32 @!p0 $0x4  }
0xf9: {  	_ =	swait.ge @!p0 [sflag:s0], s1  }
0xfa: {  	s1 =	ssub.s32 @!p0 $0x0, s1;
	[sflag:s0] =	ssyncset.done @!p0 $0x0  }
0xfb: {  	[sflag:s0] =	ssyncadd.s32 @!p0 s1  }
0xfc: {  	[bflag:$0x3] =	sbarrier.arrive $0xFFFF  }
0xfd: {  	_ =	shalt  }

</sc_bundles>
